<compile_context>
chip_gen: v7x
topology: tpu7x:2x2x1
jax: 0.10.2.dev20260603
libtpu: 0.0.44.dev20260713+nightly
codegen_flags: <defaults>
</compile_context>

<pallas_src>
import jax
import jax.numpy as jnp
from jax import lax
from jax.experimental import pallas as pl
from jax.experimental.pallas import tpu as pltpu
from jax.experimental.pallas import tpu_sc as plsc

VOCAB = 100000
EMBED = 64
MAX_LEN = 200
BATCH = 4096

NUM_CORES = 2
NUM_SUBCORES = 16
NUM_WORKERS = NUM_CORES * NUM_SUBCORES
N_BBLK = 16
BBLK = BATCH // N_BBLK
N_LHALF = NUM_WORKERS // N_BBLK
LHALF = MAX_LEN // N_LHALF
LANES = 16
RBLKS = BBLK // LANES
COLS = EMBED // LANES


def _body(seq_hbm, table_hbm, pe_hbm, out_hbm, pe_v, idx_v,
          g0, g1, g2, t0, t1, gs0, gs1, os0, os1):
    gbuf = (g0, g1)
    tbuf = (t0, t1)
    gsem = (gs0, gs1)
    osem = (os0, os1)
    wid = lax.axis_index("s") * NUM_CORES + lax.axis_index("c")
    b0 = (wid % N_BBLK) * BBLK
    l0 = (wid // N_BBLK) * LHALF

    pltpu.sync_copy(pe_hbm, pe_v)
    pltpu.sync_copy(seq_hbm.at[pl.ds(l0, LHALF), pl.ds(b0, BBLK)], idx_v)

    lane_iota = lax.iota(jnp.int32, LANES)

    def gather_start(i, v):
        pltpu.make_async_copy(
            table_hbm.at[idx_v.at[i]], gbuf[v], gsem[v]).start()

    def gather_wait(i, v):
        pltpu.make_async_copy(
            table_hbm.at[idx_v.at[i]], gbuf[v], gsem[v]).wait()

    bh0 = (wid % N_BBLK) * (BBLK // 128)

    def out_start(i, v):
        dst = out_hbm.at[l0 + i, :, pl.ds(bh0, BBLK // 128)]
        pltpu.make_async_copy(tbuf[v], dst, osem[v]).start()

    def out_wait(i, v):
        dst = out_hbm.at[l0 + i, :, pl.ds(bh0, BBLK // 128)]
        pltpu.make_async_copy(tbuf[v], dst, osem[v]).wait()

    def transpose_add(i, v):
        @plsc.parallel_loop(0, BBLK, unroll=4)
        def row(r):
            for cb in range(COLS):
                g2[r, pl.ds(cb * LANES, LANES)] = (
                    gbuf[v][r, pl.ds(cb * LANES, LANES)])

        @plsc.parallel_loop(0, EMBED, unroll=2)
        def col(c):
            pe_c = plsc.load_gather(
                pe_v, [jnp.full((LANES,), c, jnp.int32),
                       jnp.full((LANES,), l0 + i, jnp.int32)])
            c_hi = c // 8
            c_lo = c % 8
            for rb in range(RBLKS):
                rows = lane_iota + (rb * LANES)
                vals = plsc.load_gather(
                    g2, [rows, jnp.full((LANES,), c, jnp.int32)])
                tbuf[v][c_hi, rb // 8, c_lo,
                        pl.ds((rb % 8) * LANES, LANES)] = vals + pe_c

    gather_start(0, 0)

    def pair(p, _):
        for j in range(2):
            i = p * 2 + j
            v = j
            nv = 1 - j
            if j == 0:
                gather_start(i + 1, nv)
            else:
                @pl.when(p < LHALF // 2 - 1)
                def _():
                    gather_start(i + 1, nv)
            gather_wait(i, v)
            @pl.when(p > 0)
            def _():
                out_wait(i - 2, v)
            transpose_add(i, v)
            out_start(i, v)
        return 0

    lax.fori_loop(0, LHALF // 2, pair, 0)
    out_wait(LHALF - 2, 0)
    out_wait(LHALF - 1, 1)


@jax.jit
def _run(seq_t, token_table, pe_t):
    mesh = plsc.VectorSubcoreMesh(core_axis_name="c", subcore_axis_name="s")
    return pl.kernel(
        _body,
        out_type=jax.ShapeDtypeStruct(
            (MAX_LEN, EMBED // 8, BATCH // 128, 8, 128), jnp.float32),
        mesh=mesh,
        compiler_params=pltpu.CompilerParams(
            use_tc_tiling_on_sc=False, needs_layout_passes=False),
        scratch_types=[
            pltpu.VMEM((EMBED, MAX_LEN), jnp.float32),
            pltpu.VMEM((LHALF, BBLK), jnp.int32),
            pltpu.VMEM((BBLK, EMBED), jnp.float32),
            pltpu.VMEM((BBLK, EMBED), jnp.float32),
            pltpu.VMEM((BBLK, EMBED + 1), jnp.float32),
            pltpu.VMEM((EMBED // 8, BBLK // 128, 8, 128),
                       jnp.float32),
            pltpu.VMEM((EMBED // 8, BBLK // 128, 8, 128),
                       jnp.float32),
            pltpu.SemaphoreType.DMA,
            pltpu.SemaphoreType.DMA,
            pltpu.SemaphoreType.DMA,
            pltpu.SemaphoreType.DMA,
        ],
    )(seq_t, token_table, pe_t)


def kernel(sequence, token_table, pe_weight):
    seq_t = sequence.T.astype(jnp.int32)
    pe_t = pe_weight.T
    out5 = _run(seq_t, token_table, pe_t)
    return out5.transpose(2, 4, 0, 1, 3).reshape(BATCH, MAX_LEN, EMBED)

# --- scband reference (transcript-rebuilt; emitter-appended) ---
"""Pipeline reference for scband-bertembedding-33200097198797 (READ-ONLY COPY).

The authoritative reference and input builder live on the scoring server;
editing this copy changes nothing except your own understanding.
"""

import jax, jax.numpy as jnp
import numpy as np

VOCAB = 100000
EMBED = 64
MAX_LEN = 200
BATCH = 4096


def setup_inputs(seed: int = 0) -> dict:
    key = jax.random.key(seed)
    k1, k2, k3 = jax.random.split(key, 3)
    sequence = jax.random.randint(k1, (BATCH, MAX_LEN), 0, VOCAB)
    token_table = jax.random.normal(k2, (VOCAB, EMBED), dtype=jnp.float32) * 0.02
    # padding_idx=0: torch nn.Embedding initializes padding row to zeros
    token_table = token_table.at[0].set(0.0)
    pe_weight = jax.random.normal(k3, (MAX_LEN, EMBED), dtype=jnp.float32) * 0.02
    return {"sequence": sequence, "token_table": token_table, "pe_weight": pe_weight}


def reference(sequence, token_table, pe_weight):
    # TokenEmbedding: gather rows of the token table
    token_em = jnp.take(token_table, sequence, axis=0)  # [B, L, D]
    # PositionalEmbedding: full pe weight repeated over batch (L == max_len)
    batch_size = sequence.shape[0]
    p_em = jnp.broadcast_to(pe_weight[None, :, :], (batch_size,) + pe_weight.shape)
    # BERTEmbedding.forward: sum (dropout is not applied in forward)
    return token_em + p_em

if __name__ == "__main__":
    import jax
    _d = setup_inputs()
    print(jax.jit(kernel)(*tuple(_d.values())))

</pallas_src>

<mosaic_0001>
#map = affine_map<(d0, d1) -> (0, 0)>
#map1 = affine_map<(d0, d1) -> (0, 0, 0, 0, 0)>
module attributes {stable_mosaic.version = 14 : i64} {
  func.func @_body(%arg0: i32, %arg1: i32, %arg2: memref<200x4096xi32, #tpu.memory_space<hbm>>, %arg3: memref<100000x64xf32, #tpu.memory_space<hbm>>, %arg4: memref<64x200xf32, #tpu.memory_space<hbm>>, %arg5: memref<200x8x32x8x128xf32, #tpu.memory_space<hbm>>, %arg6: memref<64x200xf32, #tpu.memory_space<vmem>>, %arg7: memref<100x256xi32, #tpu.memory_space<vmem>>, %arg8: memref<256x64xf32, #tpu.memory_space<vmem>>, %arg9: memref<256x64xf32, #tpu.memory_space<vmem>>, %arg10: memref<256x65xf32, #tpu.memory_space<vmem>>, %arg11: memref<8x2x8x128xf32, #tpu.memory_space<vmem>>, %arg12: memref<8x2x8x128xf32, #tpu.memory_space<vmem>>, %arg13: memref<!tpu.dma_semaphore, #tpu.memory_space<semaphore_mem>>, %arg14: memref<!tpu.dma_semaphore, #tpu.memory_space<semaphore_mem>>, %arg15: memref<!tpu.dma_semaphore, #tpu.memory_space<semaphore_mem>>, %arg16: memref<!tpu.dma_semaphore, #tpu.memory_space<semaphore_mem>>) attributes {dimension_semantics = [#tpu.dimension_semantics<core_parallel>, #tpu.dimension_semantics<subcore_parallel>], iteration_bounds = array<i64: 2, 16>, scalar_prefetch = 0 : i64, scratch_operands = 11 : i64, tpu.core_type = #tpu.core_type<sc_vector_subcore>, window_params = [{transform_indices = #map}, {transform_indices = #map}, {transform_indices = #map}, {transform_indices = #map1}]} {
    %mul3A = arith.constant 2 : i32
    %mul3A_0 = arith.muli %arg1, %mul3A : i32
    %add3A = arith.addi %mul3A_0, %arg0 : i32
    %jit3A = arith.constant 16 : i32
    %eq3A = arith.constant 0 : i32
    %eq3A_1 = arith.cmpi eq, %jit3A, %eq3A : i32
    %jit3A_2 = arith.constant 1 : i32
    %select_n3A = arith.select %eq3A_1, %jit3A_2, %jit3A : i32
    %rem3A = arith.remsi %add3A, %select_n3A : i32
    %ne3A = arith.constant 0 : i32
    %ne3A_3 = arith.cmpi ne, %rem3A, %ne3A : i32
    %lt3A = arith.constant 0 : i32
    %lt3A_4 = arith.cmpi slt, %rem3A, %lt3A : i32
    %lt3A_5 = arith.constant 0 : i32
    %lt3A_6 = arith.cmpi slt, %select_n3A, %lt3A_5 : i32
    %ne3A_7 = arith.xori %lt3A_4, %lt3A_6 : i1
    %and3A = arith.andi %ne3A_7, %ne3A_3 : i1
    %add3A_8 = arith.addi %rem3A, %select_n3A : i32
    %select_n3A_9 = arith.select %and3A, %add3A_8, %rem3A : i32
    %mul3A_10 = arith.constant 256 : i32
    %mul3A_11 = arith.muli %select_n3A_9, %mul3A_10 : i32
    %jit3A_12 = arith.constant 16 : i32
    %div3A = arith.divsi %add3A, %jit3A_12 : i32
    %sign3A = arith.constant 0 : i32
    %sign3A_13 = arith.cmpi sgt, %add3A, %sign3A : i32
    %sign3A_14 = arith.extui %sign3A_13 : i1 to i32
    %sign3A_15 = arith.constant 0 : i32
    %sign3A_16 = arith.cmpi slt, %add3A, %sign3A_15 : i32
    %sign3A_17 = arith.extui %sign3A_16 : i1 to i32
    %sign3A_18 = arith.subi %sign3A_14, %sign3A_17 : i32
    %sign3A_19 = arith.constant 0 : i32
    %sign3A_20 = arith.cmpi sgt, %jit3A_12, %sign3A_19 : i32
    %sign3A_21 = arith.extui %sign3A_20 : i1 to i32
    %sign3A_22 = arith.constant 0 : i32
    %sign3A_23 = arith.cmpi slt, %jit3A_12, %sign3A_22 : i32
    %sign3A_24 = arith.extui %sign3A_23 : i1 to i32
    %sign3A_25 = arith.subi %sign3A_21, %sign3A_24 : i32
    %ne3A_26 = arith.cmpi ne, %sign3A_18, %sign3A_25 : i32
    %rem3A_27 = arith.remsi %add3A, %jit3A_12 : i32
    %ne3A_28 = arith.constant 0 : i32
    %ne3A_29 = arith.cmpi ne, %rem3A_27, %ne3A_28 : i32
    %and3A_30 = arith.andi %ne3A_26, %ne3A_29 : i1
    %sub3A = arith.constant 1 : i32
    %sub3A_31 = arith.subi %div3A, %sub3A : i32
    %select_n3A_32 = arith.select %and3A_30, %sub3A_31, %div3A : i32
    %mul3A_33 = arith.constant 100 : i32
    %mul3A_34 = arith.muli %select_n3A_32, %mul3A_33 : i32
    "tpu.region"() ({
      %run_scoped3A = tpu.sem_alloc : memref<!tpu.dma_semaphore, #tpu.memory_space<semaphore_mem>>
      tpu.enqueue_dma source(%arg4 : memref<64x200xf32, #tpu.memory_space<hbm>>) target(%arg6 : memref<64x200xf32, #tpu.memory_space<vmem>>) target_semaphore(%run_scoped3A : memref<!tpu.dma_semaphore, #tpu.memory_space<semaphore_mem>>)
      tpu.wait_dma2 semaphore(%run_scoped3A : memref<!tpu.dma_semaphore, #tpu.memory_space<semaphore_mem>>) src(%arg4 : memref<64x200xf32, #tpu.memory_space<hbm>>) dst(%arg6 : memref<64x200xf32, #tpu.memory_space<vmem>>)
      tpu.yield
    }) : () -> ()
    "tpu.region"() ({
      %run_scoped3A = tpu.sem_alloc : memref<!tpu.dma_semaphore, #tpu.memory_space<semaphore_mem>>
      %dma_start3A_88 = tpu.memref_slice %arg2[%mul3A_34, %mul3A_11] : memref<200x4096xi32, #tpu.memory_space<hbm>> -> memref<100x256xi32, #tpu.memory_space<hbm>>
      %dma_start3A_89 = tpu.memref_slice %arg2[%mul3A_34, %mul3A_11] : memref<200x4096xi32, #tpu.memory_space<hbm>> -> memref<100x256xi32, #tpu.memory_space<hbm>>
      tpu.enqueue_dma source(%dma_start3A_89 : memref<100x256xi32, #tpu.memory_space<hbm>>) target(%arg7 : memref<100x256xi32, #tpu.memory_space<vmem>>) target_semaphore(%run_scoped3A : memref<!tpu.dma_semaphore, #tpu.memory_space<semaphore_mem>>)
      %dma_wait3A_90 = tpu.memref_slice %arg2[%mul3A_34, %mul3A_11] : memref<200x4096xi32, #tpu.memory_space<hbm>> -> memref<100x256xi32, #tpu.memory_space<hbm>>
      %dma_wait3A_91 = tpu.memref_slice %arg2[%mul3A_34, %mul3A_11] : memref<200x4096xi32, #tpu.memory_space<hbm>> -> memref<100x256xi32, #tpu.memory_space<hbm>>
      tpu.wait_dma2 semaphore(%run_scoped3A : memref<!tpu.dma_semaphore, #tpu.memory_space<semaphore_mem>>) src(%dma_wait3A_91 : memref<100x256xi32, #tpu.memory_space<hbm>>) dst(%arg7 : memref<100x256xi32, #tpu.memory_space<vmem>>)
      tpu.yield
    }) : () -> ()
    %iota3A = tpu.iota {dimensions = array<i32: 0>} : vector<16xi32>
    %jit3A_35 = arith.constant 16 : i32
    %eq3A_36 = arith.constant 0 : i32
    %eq3A_37 = arith.cmpi eq, %jit3A_35, %eq3A_36 : i32
    %jit3A_38 = arith.constant 1 : i32
    %select_n3A_39 = arith.select %eq3A_37, %jit3A_38, %jit3A_35 : i32
    %rem3A_40 = arith.remsi %add3A, %select_n3A_39 : i32
    %ne3A_41 = arith.constant 0 : i32
    %ne3A_42 = arith.cmpi ne, %rem3A_40, %ne3A_41 : i32
    %lt3A_43 = arith.constant 0 : i32
    %lt3A_44 = arith.cmpi slt, %rem3A_40, %lt3A_43 : i32
    %lt3A_45 = arith.constant 0 : i32
    %lt3A_46 = arith.cmpi slt, %select_n3A_39, %lt3A_45 : i32
    %ne3A_47 = arith.xori %lt3A_44, %lt3A_46 : i1
    %and3A_48 = arith.andi %ne3A_47, %ne3A_42 : i1
    %add3A_49 = arith.addi %rem3A_40, %select_n3A_39 : i32
    %select_n3A_50 = arith.select %and3A_48, %add3A_49, %rem3A_40 : i32
    %mul3A_51 = arith.constant 2 : i32
    %mul3A_52 = arith.muli %select_n3A_50, %mul3A_51 : i32
    %dma_start3A = arith.constant 0 : i32
    %dma_start3A_53 = arith.constant 0 : i32
    %dma_start3A_54 = tpu.memref_slice %arg7[%dma_start3A, %dma_start3A_53] : memref<100x256xi32, #tpu.memory_space<vmem>> -> memref<1x256xi32, #tpu.memory_space<vmem>>
    %dma_start3A_55 = tpu.memref_squeeze %dma_start3A_54 : memref<1x256xi32, #tpu.memory_space<vmem>> -> memref<256xi32, #tpu.memory_space<vmem>>
    %dma_start3A_56 = arith.constant 0 : i32
    %dma_start3A_57 = arith.constant 0 : i32
    %dma_start3A_58 = tpu.memref_slice %arg3[%dma_start3A_56, %dma_start3A_57] : memref<100000x64xf32, #tpu.memory_space<hbm>> -> memref<100000x64xf32, #tpu.memory_space<hbm>>
    tpu.enqueue_indirect_dma source(%dma_start3A_58 : memref<100000x64xf32, #tpu.memory_space<hbm>>) target(%arg8 : memref<256x64xf32, #tpu.memory_space<vmem>>) offsets(%dma_start3A_55 : memref<256xi32, #tpu.memory_space<vmem>>) semaphore(%arg13 : memref<!tpu.dma_semaphore, #tpu.memory_space<semaphore_mem>>)
    %scan3A = arith.constant 0 : i32
    %scan3A_59 = arith.constant 0 : i32
    %scan3A_60 = arith.constant 50 : i32
    %scan3A_61 = arith.addi %scan3A_59, %scan3A_60 : i32
    %scan3A_62 = arith.constant 1 : i32
    %scan3A_63 = scf.for %scan3A_88 = %scan3A_59 to %scan3A_61 step %scan3A_62 iter_args(%scan3A_89 = %scan3A) -> (i32)  : i32 {
      %mul3A_90 = arith.constant 2 : i32
      %mul3A_91 = arith.muli %scan3A_88, %mul3A_90 : i32
      %add3A_92 = arith.constant 0 : i32
      %add3A_93 = arith.addi %mul3A_91, %add3A_92 : i32
      %add3A_94 = arith.constant 1 : i32
      %add3A_95 = arith.addi %add3A_93, %add3A_94 : i32
      %dma_start3A_96 = arith.constant 0 : i32
      %dma_start3A_97 = tpu.memref_slice %arg7[%add3A_95, %dma_start3A_96] : memref<100x256xi32, #tpu.memory_space<vmem>> -> memref<1x256xi32, #tpu.memory_space<vmem>>
      %dma_start3A_98 = tpu.memref_squeeze %dma_start3A_97 : memref<1x256xi32, #tpu.memory_space<vmem>> -> memref<256xi32, #tpu.memory_space<vmem>>
      %dma_start3A_99 = arith.constant 0 : i32
      %dma_start3A_100 = arith.constant 0 : i32
      %dma_start3A_101 = tpu.memref_slice %arg3[%dma_start3A_99, %dma_start3A_100] : memref<100000x64xf32, #tpu.memory_space<hbm>> -> memref<100000x64xf32, #tpu.memory_space<hbm>>
      tpu.enqueue_indirect_dma source(%dma_start3A_101 : memref<100000x64xf32, #tpu.memory_space<hbm>>) target(%arg9 : memref<256x64xf32, #tpu.memory_space<vmem>>) offsets(%dma_start3A_98 : memref<256xi32, #tpu.memory_space<vmem>>) semaphore(%arg14 : memref<!tpu.dma_semaphore, #tpu.memory_space<semaphore_mem>>)
      %dma_wait3A_102 = arith.constant 0 : i32
      %dma_wait3A_103 = tpu.memref_slice %arg7[%add3A_93, %dma_wait3A_102] : memref<100x256xi32, #tpu.memory_space<vmem>> -> memref<1x256xi32, #tpu.memory_space<vmem>>
      %dma_wait3A_104 = tpu.memref_squeeze %dma_wait3A_103 : memref<1x256xi32, #tpu.memory_space<vmem>> -> memref<256xi32, #tpu.memory_space<vmem>>
      %dma_wait3A_105 = arith.constant 0 : i32
      %dma_wait3A_106 = arith.constant 0 : i32
      %dma_wait3A_107 = tpu.memref_slice %arg3[%dma_wait3A_105, %dma_wait3A_106] : memref<100000x64xf32, #tpu.memory_space<hbm>> -> memref<100000x64xf32, #tpu.memory_space<hbm>>
      tpu.wait_indirect_dma semaphore(%arg13 : memref<!tpu.dma_semaphore, #tpu.memory_space<semaphore_mem>>) src(%dma_wait3A_107 : memref<100000x64xf32, #tpu.memory_space<hbm>>) dst(%arg8 : memref<256x64xf32, #tpu.memory_space<vmem>>)
      %gt3A = arith.constant 0 : i32
      %gt3A_108 = arith.cmpi sgt, %scan3A_88, %gt3A : i32
      %convert_element_type3A = arith.extui %gt3A_108 : i1 to i32
      %cond3A = arith.constant 0 : i32
      %cond3A_109 = arith.cmpi ne, %convert_element_type3A, %cond3A : i32
      scf.if %cond3A_109 {
        %sub3A_164 = arith.constant 2 : i32
        %sub3A_165 = arith.subi %add3A_93, %sub3A_164 : i32
        %add3A_166 = arith.addi %mul3A_34, %sub3A_165 : i32
        %dma_wait3A_167 = arith.constant 0 : i32
        %dma_wait3A_168 = arith.constant 0 : i32
        %dma_wait3A_169 = arith.constant 0 : i32
        %dma_wait3A_170 = tpu.memref_slice %arg5[%add3A_166, %dma_wait3A_167, %mul3A_52, %dma_wait3A_168, %dma_wait3A_169] : memref<200x8x32x8x128xf32, #tpu.memory_space<hbm>> -> memref<1x8x2x8x128xf32, #tpu.memory_space<hbm>>
        %dma_wait3A_171 = tpu.memref_squeeze %dma_wait3A_170 : memref<1x8x2x8x128xf32, #tpu.memory_space<hbm>> -> memref<8x2x8x128xf32, #tpu.memory_space<hbm>>
        %dma_wait3A_172 = arith.constant 0 : i32
        %dma_wait3A_173 = arith.constant 0 : i32
        %dma_wait3A_174 = arith.constant 0 : i32
        %dma_wait3A_175 = tpu.memref_slice %arg5[%add3A_166, %dma_wait3A_172, %mul3A_52, %dma_wait3A_173, %dma_wait3A_174] : memref<200x8x32x8x128xf32, #tpu.memory_space<hbm>> -> memref<1x8x2x8x128xf32, #tpu.memory_space<hbm>>
        %dma_wait3A_176 = tpu.memref_squeeze %dma_wait3A_175 : memref<1x8x2x8x128xf32, #tpu.memory_space<hbm>> -> memref<8x2x8x128xf32, #tpu.memory_space<hbm>>
        tpu.wait_dma2 semaphore(%arg15 : memref<!tpu.dma_semaphore, #tpu.memory_space<semaphore_mem>>) src(%arg11 : memref<8x2x8x128xf32, #tpu.memory_space<vmem>>) dst(%dma_wait3A_176 : memref<8x2x8x128xf32, #tpu.memory_space<hbm>>)
      } else {
      }
      %parallel_loop3A = arith.constant 0 : i32
      %parallel_loop3A_110 = arith.constant 256 : i32
      %parallel_loop3A_111 = arith.constant 1 : i32
      scf.for %parallel_loop3A_164 = %parallel_loop3A to %parallel_loop3A_110 step %parallel_loop3A_111  : i32 {
        %parallel_loop3A_165 = arith.index_cast %parallel_loop3A_164 : i32 to index
        %parallel_loop3A_166 = arith.constant 0 : index
        %parallel_loop3A_167 = tpu.vector_load %arg8[%parallel_loop3A_165, %parallel_loop3A_166] {strides = array<i32>} : memref<256x64xf32, #tpu.memory_space<vmem>>, vector<16xf32>,
        %parallel_loop3A_168 = arith.index_cast %parallel_loop3A_164 : i32 to index
        %parallel_loop3A_169 = arith.constant 0 : index
        %parallel_loop3A_170 = tpu.vector_load %arg10[%parallel_loop3A_168, %parallel_loop3A_169] {strides = array<i32>} : memref<256x65xf32, #tpu.memory_space<vmem>>, vector<16xf32>,
        tpu.vector_store %arg10[%parallel_loop3A_168, %parallel_loop3A_169], %parallel_loop3A_167 {strides = array<i32>} : memref<256x65xf32, #tpu.memory_space<vmem>>, vector<16xf32>,
        %parallel_loop3A_171 = arith.index_cast %parallel_loop3A_164 : i32 to index
        %parallel_loop3A_172 = arith.constant 16 : index
        %parallel_loop3A_173 = tpu.vector_load %arg8[%parallel_loop3A_171, %parallel_loop3A_172] {strides = array<i32>} : memref<256x64xf32, #tpu.memory_space<vmem>>, vector<16xf32>,
        %parallel_loop3A_174 = arith.index_cast %parallel_loop3A_164 : i32 to index
        %parallel_loop3A_175 = arith.constant 16 : index
        %parallel_loop3A_176 = tpu.vector_load %arg10[%parallel_loop3A_174, %parallel_loop3A_175] {strides = array<i32>} : memref<256x65xf32, #tpu.memory_space<vmem>>, vector<16xf32>,
        tpu.vector_store %arg10[%parallel_loop3A_174, %parallel_loop3A_175], %parallel_loop3A_173 {strides = array<i32>} : memref<256x65xf32, #tpu.memory_space<vmem>>, vector<16xf32>,
        %parallel_loop3A_177 = arith.index_cast %parallel_loop3A_164 : i32 to index
        %parallel_loop3A_178 = arith.constant 32 : index
        %parallel_loop3A_179 = tpu.vector_load %arg8[%parallel_loop3A_177, %parallel_loop3A_178] {strides = array<i32>} : memref<256x64xf32, #tpu.memory_space<vmem>>, vector<16xf32>,
        %parallel_loop3A_180 = arith.index_cast %parallel_loop3A_164 : i32 to index
        %parallel_loop3A_181 = arith.constant 32 : index
        %parallel_loop3A_182 = tpu.vector_load %arg10[%parallel_loop3A_180, %parallel_loop3A_181] {strides = array<i32>} : memref<256x65xf32, #tpu.memory_space<vmem>>, vector<16xf32>,
        tpu.vector_store %arg10[%parallel_loop3A_180, %parallel_loop3A_181], %parallel_loop3A_179 {strides = array<i32>} : memref<256x65xf32, #tpu.memory_space<vmem>>, vector<16xf32>,
        %parallel_loop3A_183 = arith.index_cast %parallel_loop3A_164 : i32 to index
        %parallel_loop3A_184 = arith.constant 48 : index
        %parallel_loop3A_185 = tpu.vector_load %arg8[%parallel_loop3A_183, %parallel_loop3A_184] {strides = array<i32>} : memref<256x64xf32, #tpu.memory_space<vmem>>, vector<16xf32>,
        %parallel_loop3A_186 = arith.index_cast %parallel_loop3A_164 : i32 to index
        %parallel_loop3A_187 = arith.constant 48 : index
        %parallel_loop3A_188 = tpu.vector_load %arg10[%parallel_loop3A_186, %parallel_loop3A_187] {strides = array<i32>} : memref<256x65xf32, #tpu.memory_space<vmem>>, vector<16xf32>,
        tpu.vector_store %arg10[%parallel_loop3A_186, %parallel_loop3A_187], %parallel_loop3A_185 {strides = array<i32>} : memref<256x65xf32, #tpu.memory_space<vmem>>, vector<16xf32>,
      } {sc.loop_unroll_factor = 4 : i64, sc.parallel_access}
      %parallel_loop3A_112 = arith.constant 0 : i32
      %parallel_loop3A_113 = arith.constant 64 : i32
      %parallel_loop3A_114 = arith.constant 1 : i32
      scf.for %parallel_loop3A_164 = %parallel_loop3A_112 to %parallel_loop3A_113 step %parallel_loop3A_114  : i32 {
        %parallel_loop3A_165 = vector.broadcast %parallel_loop3A_164 : i32 to vector<16xi32>
        %parallel_loop3A_166 = arith.addi %mul3A_34, %add3A_93 : i32
        %parallel_loop3A_167 = vector.broadcast %parallel_loop3A_166 : i32 to vector<16xi32>
        %parallel_loop3A_168 = tpu.vector_load_idx %arg6[%parallel_loop3A_165, %parallel_loop3A_167] : memref<64x200xf32, #tpu.memory_space<vmem>>[vector<16xi32>, vector<16xi32>], vector<16xf32>,
        %parallel_loop3A_169 = arith.constant 8 : i32
        %parallel_loop3A_170 = arith.divsi %parallel_loop3A_164, %parallel_loop3A_169 : i32
        %parallel_loop3A_171 = arith.constant 0 : i32
        %parallel_loop3A_172 = arith.cmpi sgt, %parallel_loop3A_164, %parallel_loop3A_171 : i32
        %parallel_loop3A_173 = arith.extui %parallel_loop3A_172 : i1 to i32
        %parallel_loop3A_174 = arith.constant 0 : i32
        %parallel_loop3A_175 = arith.cmpi slt, %parallel_loop3A_164, %parallel_loop3A_174 : i32
        %parallel_loop3A_176 = arith.extui %parallel_loop3A_175 : i1 to i32
        %parallel_loop3A_177 = arith.subi %parallel_loop3A_173, %parallel_loop3A_176 : i32
        %parallel_loop3A_178 = arith.constant 0 : i32
        %parallel_loop3A_179 = arith.cmpi sgt, %parallel_loop3A_169, %parallel_loop3A_178 : i32
        %parallel_loop3A_180 = arith.extui %parallel_loop3A_179 : i1 to i32
        %parallel_loop3A_181 = arith.constant 0 : i32
        %parallel_loop3A_182 = arith.cmpi slt, %parallel_loop3A_169, %parallel_loop3A_181 : i32
        %parallel_loop3A_183 = arith.extui %parallel_loop3A_182 : i1 to i32
        %parallel_loop3A_184 = arith.subi %parallel_loop3A_180, %parallel_loop3A_183 : i32
        %parallel_loop3A_185 = arith.cmpi ne, %parallel_loop3A_177, %parallel_loop3A_184 : i32
        %parallel_loop3A_186 = arith.remsi %parallel_loop3A_164, %parallel_loop3A_169 : i32
        %parallel_loop3A_187 = arith.constant 0 : i32
        %parallel_loop3A_188 = arith.cmpi ne, %parallel_loop3A_186, %parallel_loop3A_187 : i32
        %parallel_loop3A_189 = arith.andi %parallel_loop3A_185, %parallel_loop3A_188 : i1
        %parallel_loop3A_190 = arith.constant 1 : i32
        %parallel_loop3A_191 = arith.subi %parallel_loop3A_170, %parallel_loop3A_190 : i32
        %parallel_loop3A_192 = arith.select %parallel_loop3A_189, %parallel_loop3A_191, %parallel_loop3A_170 : i32
        %parallel_loop3A_193 = arith.constant 8 : i32
        %parallel_loop3A_194 = arith.constant 0 : i32
        %parallel_loop3A_195 = arith.cmpi eq, %parallel_loop3A_193, %parallel_loop3A_194 : i32
        %parallel_loop3A_196 = arith.constant 1 : i32
        %parallel_loop3A_197 = arith.select %parallel_loop3A_195, %parallel_loop3A_196, %parallel_loop3A_193 : i32
        %parallel_loop3A_198 = arith.remsi %parallel_loop3A_164, %parallel_loop3A_197 : i32
        %parallel_loop3A_199 = arith.constant 0 : i32
        %parallel_loop3A_200 = arith.cmpi ne, %parallel_loop3A_198, %parallel_loop3A_199 : i32
        %parallel_loop3A_201 = arith.constant 0 : i32
        %parallel_loop3A_202 = arith.cmpi slt, %parallel_loop3A_198, %parallel_loop3A_201 : i32
        %parallel_loop3A_203 = arith.constant 0 : i32
        %parallel_loop3A_204 = arith.cmpi slt, %parallel_loop3A_197, %parallel_loop3A_203 : i32
        %parallel_loop3A_205 = arith.xori %parallel_loop3A_202, %parallel_loop3A_204 : i1
        %parallel_loop3A_206 = arith.andi %parallel_loop3A_205, %parallel_loop3A_200 : i1
        %parallel_loop3A_207 = arith.addi %parallel_loop3A_198, %parallel_loop3A_197 : i32
        %parallel_loop3A_208 = arith.select %parallel_loop3A_206, %parallel_loop3A_207, %parallel_loop3A_198 : i32
        %parallel_loop3A_209 = arith.constant 0 : i32
        %parallel_loop3A_210 = vector.broadcast %parallel_loop3A_209 : i32 to vector<16xi32>
        %parallel_loop3A_211 = arith.addi %iota3A, %parallel_loop3A_210 : vector<16xi32>
        %parallel_loop3A_212 = vector.broadcast %parallel_loop3A_164 : i32 to vector<16xi32>
        %parallel_loop3A_213 = tpu.vector_load_idx %arg10[%parallel_loop3A_211, %parallel_loop3A_212] : memref<256x65xf32, #tpu.memory_space<vmem>>[vector<16xi32>, vector<16xi32>], vector<16xf32>,
        %parallel_loop3A_214 = arith.addf %parallel_loop3A_213, %parallel_loop3A_168 : vector<16xf32>
        %parallel_loop3A_215 = arith.constant 0 : i32
        %parallel_loop3A_216 = arith.index_cast %parallel_loop3A_192 : i32 to index
        %parallel_loop3A_217 = arith.index_cast %parallel_loop3A_215 : i32 to index
        %parallel_loop3A_218 = arith.index_cast %parallel_loop3A_208 : i32 to index
        %parallel_loop3A_219 = arith.constant 0 : index
        %parallel_loop3A_220 = tpu.vector_load %arg11[%parallel_loop3A_216, %parallel_loop3A_217, %parallel_loop3A_218, %parallel_loop3A_219] {strides = array<i32>} : memref<8x2x8x128xf32, #tpu.memory_space<vmem>>, vector<16xf32>,
        tpu.vector_store %arg11[%parallel_loop3A_216, %parallel_loop3A_217, %parallel_loop3A_218, %parallel_loop3A_219], %parallel_loop3A_214 {strides = array<i32>} : memref<8x2x8x128xf32, #tpu.memory_space<vmem>>, vector<16xf32>,
        %parallel_loop3A_221 = arith.constant 16 : i32
        %parallel_loop3A_222 = vector.broadcast %parallel_loop3A_221 : i32 to vector<16xi32>
        %parallel_loop3A_223 = arith.addi %iota3A, %parallel_loop3A_222 : vector<16xi32>
        %parallel_loop3A_224 = vector.broadcast %parallel_loop3A_164 : i32 to vector<16xi32>
        %parallel_loop3A_225 = tpu.vector_load_idx %arg10[%parallel_loop3A_223, %parallel_loop3A_224] : memref<256x65xf32, #tpu.memory_space<vmem>>[vector<16xi32>, vector<16xi32>], vector<16xf32>,
        %parallel_loop3A_226 = arith.addf %parallel_loop3A_225, %parallel_loop3A_168 : vector<16xf32>
        %parallel_loop3A_227 = arith.constant 0 : i32
        %parallel_loop3A_228 = arith.index_cast %parallel_loop3A_192 : i32 to index
        %parallel_loop3A_229 = arith.index_cast %parallel_loop3A_227 : i32 to index
        %parallel_loop3A_230 = arith.index_cast %parallel_loop3A_208 : i32 to index
        %parallel_loop3A_231 = arith.constant 16 : index
        %parallel_loop3A_232 = tpu.vector_load %arg11[%parallel_loop3A_228, %parallel_loop3A_229, %parallel_loop3A_230, %parallel_loop3A_231] {strides = array<i32>} : memref<8x2x8x128xf32, #tpu.memory_space<vmem>>, vector<16xf32>,
        tpu.vector_store %arg11[%parallel_loop3A_228, %parallel_loop3A_229, %parallel_loop3A_230, %parallel_loop3A_231], %parallel_loop3A_226 {strides = array<i32>} : memref<8x2x8x128xf32, #tpu.memory_space<vmem>>, vector<16xf32>,
        %parallel_loop3A_233 = arith.constant 32 : i32
        %parallel_loop3A_234 = vector.broadcast %parallel_loop3A_233 : i32 to vector<16xi32>
        %parallel_loop3A_235 = arith.addi %iota3A, %parallel_loop3A_234 : vector<16xi32>
        %parallel_loop3A_236 = vector.broadcast %parallel_loop3A_164 : i32 to vector<16xi32>
        %parallel_loop3A_237 = tpu.vector_load_idx %arg10[%parallel_loop3A_235, %parallel_loop3A_236] : memref<256x65xf32, #tpu.memory_space<vmem>>[vector<16xi32>, vector<16xi32>], vector<16xf32>,
        %parallel_loop3A_238 = arith.addf %parallel_loop3A_237, %parallel_loop3A_168 : vector<16xf32>
        %parallel_loop3A_239 = arith.constant 0 : i32
        %parallel_loop3A_240 = arith.index_cast %parallel_loop3A_192 : i32 to index
        %parallel_loop3A_241 = arith.index_cast %parallel_loop3A_239 : i32 to index
        %parallel_loop3A_242 = arith.index_cast %parallel_loop3A_208 : i32 to index
        %parallel_loop3A_243 = arith.constant 32 : index
        %parallel_loop3A_244 = tpu.vector_load %arg11[%parallel_loop3A_240, %parallel_loop3A_241, %parallel_loop3A_242, %parallel_loop3A_243] {strides = array<i32>} : memref<8x2x8x128xf32, #tpu.memory_space<vmem>>, vector<16xf32>,
        tpu.vector_store %arg11[%parallel_loop3A_240, %parallel_loop3A_241, %parallel_loop3A_242, %parallel_loop3A_243], %parallel_loop3A_238 {strides = array<i32>} : memref<8x2x8x128xf32, #tpu.memory_space<vmem>>, vector<16xf32>,
        %parallel_loop3A_245 = arith.constant 48 : i32
        %parallel_loop3A_246 = vector.broadcast %parallel_loop3A_245 : i32 to vector<16xi32>
        %parallel_loop3A_247 = arith.addi %iota3A, %parallel_loop3A_246 : vector<16xi32>
        %parallel_loop3A_248 = vector.broadcast %parallel_loop3A_164 : i32 to vector<16xi32>
        %parallel_loop3A_249 = tpu.vector_load_idx %arg10[%parallel_loop3A_247, %parallel_loop3A_248] : memref<256x65xf32, #tpu.memory_space<vmem>>[vector<16xi32>, vector<16xi32>], vector<16xf32>,
        %parallel_loop3A_250 = arith.addf %parallel_loop3A_249, %parallel_loop3A_168 : vector<16xf32>
        %parallel_loop3A_251 = arith.constant 0 : i32
        %parallel_loop3A_252 = arith.index_cast %parallel_loop3A_192 : i32 to index
        %parallel_loop3A_253 = arith.index_cast %parallel_loop3A_251 : i32 to index
        %parallel_loop3A_254 = arith.index_cast %parallel_loop3A_208 : i32 to index
        %parallel_loop3A_255 = arith.constant 48 : index
        %parallel_loop3A_256 = tpu.vector_load %arg11[%parallel_loop3A_252, %parallel_loop3A_253, %parallel_loop3A_254, %parallel_loop3A_255] {strides = array<i32>} : memref<8x2x8x128xf32, #tpu.memory_space<vmem>>, vector<16xf32>,
        tpu.vector_store %arg11[%parallel_loop3A_252, %parallel_loop3A_253, %parallel_loop3A_254, %parallel_loop3A_255], %parallel_loop3A_250 {strides = array<i32>} : memref<8x2x8x128xf32, #tpu.memory_space<vmem>>, vector<16xf32>,
        %parallel_loop3A_257 = arith.constant 64 : i32
        %parallel_loop3A_258 = vector.broadcast %parallel_loop3A_257 : i32 to vector<16xi32>
        %parallel_loop3A_259 = arith.addi %iota3A, %parallel_loop3A_258 : vector<16xi32>
        %parallel_loop3A_260 = vector.broadcast %parallel_loop3A_164 : i32 to vector<16xi32>
        %parallel_loop3A_261 = tpu.vector_load_idx %arg10[%parallel_loop3A_259, %parallel_loop3A_260] : memref<256x65xf32, #tpu.memory_space<vmem>>[vector<16xi32>, vector<16xi32>], vector<16xf32>,
        %parallel_loop3A_262 = arith.addf %parallel_loop3A_261, %parallel_loop3A_168 : vector<16xf32>
        %parallel_loop3A_263 = arith.constant 0 : i32
        %parallel_loop3A_264 = arith.index_cast %parallel_loop3A_192 : i32 to index
        %parallel_loop3A_265 = arith.index_cast %parallel_loop3A_263 : i32 to index
        %parallel_loop3A_266 = arith.index_cast %parallel_loop3A_208 : i32 to index
        %parallel_loop3A_267 = arith.constant 64 : index
        %parallel_loop3A_268 = tpu.vector_load %arg11[%parallel_loop3A_264, %parallel_loop3A_265, %parallel_loop3A_266, %parallel_loop3A_267] {strides = array<i32>} : memref<8x2x8x128xf32, #tpu.memory_space<vmem>>, vector<16xf32>,
        tpu.vector_store %arg11[%parallel_loop3A_264, %parallel_loop3A_265, %parallel_loop3A_266, %parallel_loop3A_267], %parallel_loop3A_262 {strides = array<i32>} : memref<8x2x8x128xf32, #tpu.memory_space<vmem>>, vector<16xf32>,
        %parallel_loop3A_269 = arith.constant 80 : i32
        %parallel_loop3A_270 = vector.broadcast %parallel_loop3A_269 : i32 to vector<16xi32>
        %parallel_loop3A_271 = arith.addi %iota3A, %parallel_loop3A_270 : vector<16xi32>
        %parallel_loop3A_272 = vector.broadcast %parallel_loop3A_164 : i32 to vector<16xi32>
        %parallel_loop3A_273 = tpu.vector_load_idx %arg10[%parallel_loop3A_271, %parallel_loop3A_272] : memref<256x65xf32, #tpu.memory_space<vmem>>[vector<16xi32>, vector<16xi32>], vector<16xf32>,
        %parallel_loop3A_274 = arith.addf %parallel_loop3A_273, %parallel_loop3A_168 : vector<16xf32>
        %parallel_loop3A_275 = arith.constant 0 : i32
        %parallel_loop3A_276 = arith.index_cast %parallel_loop3A_192 : i32 to index
        %parallel_loop3A_277 = arith.index_cast %parallel_loop3A_275 : i32 to index
        %parallel_loop3A_278 = arith.index_cast %parallel_loop3A_208 : i32 to index
        %parallel_loop3A_279 = arith.constant 80 : index
        %parallel_loop3A_280 = tpu.vector_load %arg11[%parallel_loop3A_276, %parallel_loop3A_277, %parallel_loop3A_278, %parallel_loop3A_279] {strides = array<i32>} : memref<8x2x8x128xf32, #tpu.memory_space<vmem>>, vector<16xf32>,
        tpu.vector_store %arg11[%parallel_loop3A_276, %parallel_loop3A_277, %parallel_loop3A_278, %parallel_loop3A_279], %parallel_loop3A_274 {strides = array<i32>} : memref<8x2x8x128xf32, #tpu.memory_space<vmem>>, vector<16xf32>,
        %parallel_loop3A_281 = arith.constant 96 : i32
        %parallel_loop3A_282 = vector.broadcast %parallel_loop3A_281 : i32 to vector<16xi32>
        %parallel_loop3A_283 = arith.addi %iota3A, %parallel_loop3A_282 : vector<16xi32>
        %parallel_loop3A_284 = vector.broadcast %parallel_loop3A_164 : i32 to vector<16xi32>
        %parallel_loop3A_285 = tpu.vector_load_idx %arg10[%parallel_loop3A_283, %parallel_loop3A_284] : memref<256x65xf32, #tpu.memory_space<vmem>>[vector<16xi32>, vector<16xi32>], vector<16xf32>,
        %parallel_loop3A_286 = arith.addf %parallel_loop3A_285, %parallel_loop3A_168 : vector<16xf32>
        %parallel_loop3A_287 = arith.constant 0 : i32
        %parallel_loop3A_288 = arith.index_cast %parallel_loop3A_192 : i32 to index
        %parallel_loop3A_289 = arith.index_cast %parallel_loop3A_287 : i32 to index
        %parallel_loop3A_290 = arith.index_cast %parallel_loop3A_208 : i32 to index
        %parallel_loop3A_291 = arith.constant 96 : index
        %parallel_loop3A_292 = tpu.vector_load %arg11[%parallel_loop3A_288, %parallel_loop3A_289, %parallel_loop3A_290, %parallel_loop3A_291] {strides = array<i32>} : memref<8x2x8x128xf32, #tpu.memory_space<vmem>>, vector<16xf32>,
        tpu.vector_store %arg11[%parallel_loop3A_288, %parallel_loop3A_289, %parallel_loop3A_290, %parallel_loop3A_291], %parallel_loop3A_286 {strides = array<i32>} : memref<8x2x8x128xf32, #tpu.memory_space<vmem>>, vector<16xf32>,
        %parallel_loop3A_293 = arith.constant 112 : i32
        %parallel_loop3A_294 = vector.broadcast %parallel_loop3A_293 : i32 to vector<16xi32>
        %parallel_loop3A_295 = arith.addi %iota3A, %parallel_loop3A_294 : vector<16xi32>
        %parallel_loop3A_296 = vector.broadcast %parallel_loop3A_164 : i32 to vector<16xi32>
        %parallel_loop3A_297 = tpu.vector_load_idx %arg10[%parallel_loop3A_295, %parallel_loop3A_296] : memref<256x65xf32, #tpu.memory_space<vmem>>[vector<16xi32>, vector<16xi32>], vector<16xf32>,
        %parallel_loop3A_298 = arith.addf %parallel_loop3A_297, %parallel_loop3A_168 : vector<16xf32>
        %parallel_loop3A_299 = arith.constant 0 : i32
        %parallel_loop3A_300 = arith.index_cast %parallel_loop3A_192 : i32 to index
        %parallel_loop3A_301 = arith.index_cast %parallel_loop3A_299 : i32 to index
        %parallel_loop3A_302 = arith.index_cast %parallel_loop3A_208 : i32 to index
        %parallel_loop3A_303 = arith.constant 112 : index
        %parallel_loop3A_304 = tpu.vector_load %arg11[%parallel_loop3A_300, %parallel_loop3A_301, %parallel_loop3A_302, %parallel_loop3A_303] {strides = array<i32>} : memref<8x2x8x128xf32, #tpu.memory_space<vmem>>, vector<16xf32>,
        tpu.vector_store %arg11[%parallel_loop3A_300, %parallel_loop3A_301, %parallel_loop3A_302, %parallel_loop3A_303], %parallel_loop3A_298 {strides = array<i32>} : memref<8x2x8x128xf32, #tpu.memory_space<vmem>>, vector<16xf32>,
        %parallel_loop3A_305 = arith.constant 128 : i32
        %parallel_loop3A_306 = vector.broadcast %parallel_loop3A_305 : i32 to vector<16xi32>
        %parallel_loop3A_307 = arith.addi %iota3A, %parallel_loop3A_306 : vector<16xi32>
        %parallel_loop3A_308 = vector.broadcast %parallel_loop3A_164 : i32 to vector<16xi32>
        %parallel_loop3A_309 = tpu.vector_load_idx %arg10[%parallel_loop3A_307, %parallel_loop3A_308] : memref<256x65xf32, #tpu.memory_space<vmem>>[vector<16xi32>, vector<16xi32>], vector<16xf32>,
        %parallel_loop3A_310 = arith.addf %parallel_loop3A_309, %parallel_loop3A_168 : vector<16xf32>
        %parallel_loop3A_311 = arith.constant 1 : i32
        %parallel_loop3A_312 = arith.index_cast %parallel_loop3A_192 : i32 to index
        %parallel_loop3A_313 = arith.index_cast %parallel_loop3A_311 : i32 to index
        %parallel_loop3A_314 = arith.index_cast %parallel_loop3A_208 : i32 to index
        %parallel_loop3A_315 = arith.constant 0 : index
        %parallel_loop3A_316 = tpu.vector_load %arg11[%parallel_loop3A_312, %parallel_loop3A_313, %parallel_loop3A_314, %parallel_loop3A_315] {strides = array<i32>} : memref<8x2x8x128xf32, #tpu.memory_space<vmem>>, vector<16xf32>,
        tpu.vector_store %arg11[%parallel_loop3A_312, %parallel_loop3A_313, %parallel_loop3A_314, %parallel_loop3A_315], %parallel_loop3A_310 {strides = array<i32>} : memref<8x2x8x128xf32, #tpu.memory_space<vmem>>, vector<16xf32>,
        %parallel_loop3A_317 = arith.constant 144 : i32
        %parallel_loop3A_318 = vector.broadcast %parallel_loop3A_317 : i32 to vector<16xi32>
        %parallel_loop3A_319 = arith.addi %iota3A, %parallel_loop3A_318 : vector<16xi32>
        %parallel_loop3A_320 = vector.broadcast %parallel_loop3A_164 : i32 to vector<16xi32>
        %parallel_loop3A_321 = tpu.vector_load_idx %arg10[%parallel_loop3A_319, %parallel_loop3A_320] : memref<256x65xf32, #tpu.memory_space<vmem>>[vector<16xi32>, vector<16xi32>], vector<16xf32>,
        %parallel_loop3A_322 = arith.addf %parallel_loop3A_321, %parallel_loop3A_168 : vector<16xf32>
        %parallel_loop3A_323 = arith.constant 1 : i32
        %parallel_loop3A_324 = arith.index_cast %parallel_loop3A_192 : i32 to index
        %parallel_loop3A_325 = arith.index_cast %parallel_loop3A_323 : i32 to index
        %parallel_loop3A_326 = arith.index_cast %parallel_loop3A_208 : i32 to index
        %parallel_loop3A_327 = arith.constant 16 : index
        %parallel_loop3A_328 = tpu.vector_load %arg11[%parallel_loop3A_324, %parallel_loop3A_325, %parallel_loop3A_326, %parallel_loop3A_327] {strides = array<i32>} : memref<8x2x8x128xf32, #tpu.memory_space<vmem>>, vector<16xf32>,
        tpu.vector_store %arg11[%parallel_loop3A_324, %parallel_loop3A_325, %parallel_loop3A_326, %parallel_loop3A_327], %parallel_loop3A_322 {strides = array<i32>} : memref<8x2x8x128xf32, #tpu.memory_space<vmem>>, vector<16xf32>,
        %parallel_loop3A_329 = arith.constant 160 : i32
        %parallel_loop3A_330 = vector.broadcast %parallel_loop3A_329 : i32 to vector<16xi32>
        %parallel_loop3A_331 = arith.addi %iota3A, %parallel_loop3A_330 : vector<16xi32>
        %parallel_loop3A_332 = vector.broadcast %parallel_loop3A_164 : i32 to vector<16xi32>
        %parallel_loop3A_333 = tpu.vector_load_idx %arg10[%parallel_loop3A_331, %parallel_loop3A_332] : memref<256x65xf32, #tpu.memory_space<vmem>>[vector<16xi32>, vector<16xi32>], vector<16xf32>,
        %parallel_loop3A_334 = arith.addf %parallel_loop3A_333, %parallel_loop3A_168 : vector<16xf32>
        %parallel_loop3A_335 = arith.constant 1 : i32
        %parallel_loop3A_336 = arith.index_cast %parallel_loop3A_192 : i32 to index
        %parallel_loop3A_337 = arith.index_cast %parallel_loop3A_335 : i32 to index
        %parallel_loop3A_338 = arith.index_cast %parallel_loop3A_208 : i32 to index
        %parallel_loop3A_339 = arith.constant 32 : index
        %parallel_loop3A_340 = tpu.vector_load %arg11[%parallel_loop3A_336, %parallel_loop3A_337, %parallel_loop3A_338, %parallel_loop3A_339] {strides = array<i32>} : memref<8x2x8x128xf32, #tpu.memory_space<vmem>>, vector<16xf32>,
        tpu.vector_store %arg11[%parallel_loop3A_336, %parallel_loop3A_337, %parallel_loop3A_338, %parallel_loop3A_339], %parallel_loop3A_334 {strides = array<i32>} : memref<8x2x8x128xf32, #tpu.memory_space<vmem>>, vector<16xf32>,
        %parallel_loop3A_341 = arith.constant 176 : i32
        %parallel_loop3A_342 = vector.broadcast %parallel_loop3A_341 : i32 to vector<16xi32>
        %parallel_loop3A_343 = arith.addi %iota3A, %parallel_loop3A_342 : vector<16xi32>
        %parallel_loop3A_344 = vector.broadcast %parallel_loop3A_164 : i32 to vector<16xi32>
        %parallel_loop3A_345 = tpu.vector_load_idx %arg10[%parallel_loop3A_343, %parallel_loop3A_344] : memref<256x65xf32, #tpu.memory_space<vmem>>[vector<16xi32>, vector<16xi32>], vector<16xf32>,
        %parallel_loop3A_346 = arith.addf %parallel_loop3A_345, %parallel_loop3A_168 : vector<16xf32>
        %parallel_loop3A_347 = arith.constant 1 : i32
        %parallel_loop3A_348 = arith.index_cast %parallel_loop3A_192 : i32 to index
        %parallel_loop3A_349 = arith.index_cast %parallel_loop3A_347 : i32 to index
        %parallel_loop3A_350 = arith.index_cast %parallel_loop3A_208 : i32 to index
        %parallel_loop3A_351 = arith.constant 48 : index
        %parallel_loop3A_352 = tpu.vector_load %arg11[%parallel_loop3A_348, %parallel_loop3A_349, %parallel_loop3A_350, %parallel_loop3A_351] {strides = array<i32>} : memref<8x2x8x128xf32, #tpu.memory_space<vmem>>, vector<16xf32>,
        tpu.vector_store %arg11[%parallel_loop3A_348, %parallel_loop3A_349, %parallel_loop3A_350, %parallel_loop3A_351], %parallel_loop3A_346 {strides = array<i32>} : memref<8x2x8x128xf32, #tpu.memory_space<vmem>>, vector<16xf32>,
        %parallel_loop3A_353 = arith.constant 192 : i32
        %parallel_loop3A_354 = vector.broadcast %parallel_loop3A_353 : i32 to vector<16xi32>
        %parallel_loop3A_355 = arith.addi %iota3A, %parallel_loop3A_354 : vector<16xi32>
        %parallel_loop3A_356 = vector.broadcast %parallel_loop3A_164 : i32 to vector<16xi32>
        %parallel_loop3A_357 = tpu.vector_load_idx %arg10[%parallel_loop3A_355, %parallel_loop3A_356] : memref<256x65xf32, #tpu.memory_space<vmem>>[vector<16xi32>, vector<16xi32>], vector<16xf32>,
        %parallel_loop3A_358 = arith.addf %parallel_loop3A_357, %parallel_loop3A_168 : vector<16xf32>
        %parallel_loop3A_359 = arith.constant 1 : i32
        %parallel_loop3A_360 = arith.index_cast %parallel_loop3A_192 : i32 to index
        %parallel_loop3A_361 = arith.index_cast %parallel_loop3A_359 : i32 to index
        %parallel_loop3A_362 = arith.index_cast %parallel_loop3A_208 : i32 to index
        %parallel_loop3A_363 = arith.constant 64 : index
        %parallel_loop3A_364 = tpu.vector_load %arg11[%parallel_loop3A_360, %parallel_loop3A_361, %parallel_loop3A_362, %parallel_loop3A_363] {strides = array<i32>} : memref<8x2x8x128xf32, #tpu.memory_space<vmem>>, vector<16xf32>,
        tpu.vector_store %arg11[%parallel_loop3A_360, %parallel_loop3A_361, %parallel_loop3A_362, %parallel_loop3A_363], %parallel_loop3A_358 {strides = array<i32>} : memref<8x2x8x128xf32, #tpu.memory_space<vmem>>, vector<16xf32>,
        %parallel_loop3A_365 = arith.constant 208 : i32
        %parallel_loop3A_366 = vector.broadcast %parallel_loop3A_365 : i32 to vector<16xi32>
        %parallel_loop3A_367 = arith.addi %iota3A, %parallel_loop3A_366 : vector<16xi32>
        %parallel_loop3A_368 = vector.broadcast %parallel_loop3A_164 : i32 to vector<16xi32>
        %parallel_loop3A_369 = tpu.vector_load_idx %arg10[%parallel_loop3A_367, %parallel_loop3A_368] : memref<256x65xf32, #tpu.memory_space<vmem>>[vector<16xi32>, vector<16xi32>], vector<16xf32>,
        %parallel_loop3A_370 = arith.addf %parallel_loop3A_369, %parallel_loop3A_168 : vector<16xf32>
        %parallel_loop3A_371 = arith.constant 1 : i32
        %parallel_loop3A_372 = arith.index_cast %parallel_loop3A_192 : i32 to index
        %parallel_loop3A_373 = arith.index_cast %parallel_loop3A_371 : i32 to index
        %parallel_loop3A_374 = arith.index_cast %parallel_loop3A_208 : i32 to index
        %parallel_loop3A_375 = arith.constant 80 : index
        %parallel_loop3A_376 = tpu.vector_load %arg11[%parallel_loop3A_372, %parallel_loop3A_373, %parallel_loop3A_374, %parallel_loop3A_375] {strides = array<i32>} : memref<8x2x8x128xf32, #tpu.memory_space<vmem>>, vector<16xf32>,
        tpu.vector_store %arg11[%parallel_loop3A_372, %parallel_loop3A_373, %parallel_loop3A_374, %parallel_loop3A_375], %parallel_loop3A_370 {strides = array<i32>} : memref<8x2x8x128xf32, #tpu.memory_space<vmem>>, vector<16xf32>,
        %parallel_loop3A_377 = arith.constant 224 : i32
        %parallel_loop3A_378 = vector.broadcast %parallel_loop3A_377 : i32 to vector<16xi32>
        %parallel_loop3A_379 = arith.addi %iota3A, %parallel_loop3A_378 : vector<16xi32>
        %parallel_loop3A_380 = vector.broadcast %parallel_loop3A_164 : i32 to vector<16xi32>
        %parallel_loop3A_381 = tpu.vector_load_idx %arg10[%parallel_loop3A_379, %parallel_loop3A_380] : memref<256x65xf32, #tpu.memory_space<vmem>>[vector<16xi32>, vector<16xi32>], vector<16xf32>,
        %parallel_loop3A_382 = arith.addf %parallel_loop3A_381, %parallel_loop3A_168 : vector<16xf32>
        %parallel_loop3A_383 = arith.constant 1 : i32
        %parallel_loop3A_384 = arith.index_cast %parallel_loop3A_192 : i32 to index
        %parallel_loop3A_385 = arith.index_cast %parallel_loop3A_383 : i32 to index
        %parallel_loop3A_386 = arith.index_cast %parallel_loop3A_208 : i32 to index
        %parallel_loop3A_387 = arith.constant 96 : index
        %parallel_loop3A_388 = tpu.vector_load %arg11[%parallel_loop3A_384, %parallel_loop3A_385, %parallel_loop3A_386, %parallel_loop3A_387] {strides = array<i32>} : memref<8x2x8x128xf32, #tpu.memory_space<vmem>>, vector<16xf32>,
        tpu.vector_store %arg11[%parallel_loop3A_384, %parallel_loop3A_385, %parallel_loop3A_386, %parallel_loop3A_387], %parallel_loop3A_382 {strides = array<i32>} : memref<8x2x8x128xf32, #tpu.memory_space<vmem>>, vector<16xf32>,
        %parallel_loop3A_389 = arith.constant 240 : i32
        %parallel_loop3A_390 = vector.broadcast %parallel_loop3A_389 : i32 to vector<16xi32>
        %parallel_loop3A_391 = arith.addi %iota3A, %parallel_loop3A_390 : vector<16xi32>
        %parallel_loop3A_392 = vector.broadcast %parallel_loop3A_164 : i32 to vector<16xi32>
        %parallel_loop3A_393 = tpu.vector_load_idx %arg10[%parallel_loop3A_391, %parallel_loop3A_392] : memref<256x65xf32, #tpu.memory_space<vmem>>[vector<16xi32>, vector<16xi32>], vector<16xf32>,
        %parallel_loop3A_394 = arith.addf %parallel_loop3A_393, %parallel_loop3A_168 : vector<16xf32>
        %parallel_loop3A_395 = arith.constant 1 : i32
        %parallel_loop3A_396 = arith.index_cast %parallel_loop3A_192 : i32 to index
        %parallel_loop3A_397 = arith.index_cast %parallel_loop3A_395 : i32 to index
        %parallel_loop3A_398 = arith.index_cast %parallel_loop3A_208 : i32 to index
        %parallel_loop3A_399 = arith.constant 112 : index
        %parallel_loop3A_400 = tpu.vector_load %arg11[%parallel_loop3A_396, %parallel_loop3A_397, %parallel_loop3A_398, %parallel_loop3A_399] {strides = array<i32>} : memref<8x2x8x128xf32, #tpu.memory_space<vmem>>, vector<16xf32>,
        tpu.vector_store %arg11[%parallel_loop3A_396, %parallel_loop3A_397, %parallel_loop3A_398, %parallel_loop3A_399], %parallel_loop3A_394 {strides = array<i32>} : memref<8x2x8x128xf32, #tpu.memory_space<vmem>>, vector<16xf32>,
      } {sc.loop_unroll_factor = 2 : i64, sc.parallel_access}
      %add3A_115 = arith.addi %mul3A_34, %add3A_93 : i32
      %dma_start3A_116 = arith.constant 0 : i32
      %dma_start3A_117 = arith.constant 0 : i32
      %dma_start3A_118 = arith.constant 0 : i32
      %dma_start3A_119 = tpu.memref_slice %arg5[%add3A_115, %dma_start3A_116, %mul3A_52, %dma_start3A_117, %dma_start3A_118] : memref<200x8x32x8x128xf32, #tpu.memory_space<hbm>> -> memref<1x8x2x8x128xf32, #tpu.memory_space<hbm>>
      %dma_start3A_120 = tpu.memref_squeeze %dma_start3A_119 : memref<1x8x2x8x128xf32, #tpu.memory_space<hbm>> -> memref<8x2x8x128xf32, #tpu.memory_space<hbm>>
      %dma_start3A_121 = arith.constant 0 : i32
      %dma_start3A_122 = arith.constant 0 : i32
      %dma_start3A_123 = arith.constant 0 : i32
      %dma_start3A_124 = tpu.memref_slice %arg5[%add3A_115, %dma_start3A_121, %mul3A_52, %dma_start3A_122, %dma_start3A_123] : memref<200x8x32x8x128xf32, #tpu.memory_space<hbm>> -> memref<1x8x2x8x128xf32, #tpu.memory_space<hbm>>
      %dma_start3A_125 = tpu.memref_squeeze %dma_start3A_124 : memref<1x8x2x8x128xf32, #tpu.memory_space<hbm>> -> memref<8x2x8x128xf32, #tpu.memory_space<hbm>>
      tpu.enqueue_dma source(%arg11 : memref<8x2x8x128xf32, #tpu.memory_space<vmem>>) target(%dma_start3A_125 : memref<8x2x8x128xf32, #tpu.memory_space<hbm>>) target_semaphore(%arg15 : memref<!tpu.dma_semaphore, #tpu.memory_space<semaphore_mem>>)
      %mul3A_126 = arith.constant 2 : i32
      %mul3A_127 = arith.muli %scan3A_88, %mul3A_126 : i32
      %add3A_128 = arith.constant 1 : i32
      %add3A_129 = arith.addi %mul3A_127, %add3A_128 : i32
      %lt3A_130 = arith.constant 49 : i32
      %lt3A_131 = arith.cmpi slt, %scan3A_88, %lt3A_130 : i32
      %convert_element_type3A_132 = arith.extui %lt3A_131 : i1 to i32
      %cond3A_133 = arith.constant 0 : i32
      %cond3A_134 = arith.cmpi ne, %convert_element_type3A_132, %cond3A_133 : i32
      scf.if %cond3A_134 {
        %add3A_164 = arith.constant 1 : i32
        %add3A_165 = arith.addi %add3A_129, %add3A_164 : i32
        %dma_start3A_166 = arith.constant 0 : i32
        %dma_start3A_167 = tpu.memref_slice %arg7[%add3A_165, %dma_start3A_166] : memref<100x256xi32, #tpu.memory_space<vmem>> -> memref<1x256xi32, #tpu.memory_space<vmem>>
        %dma_start3A_168 = tpu.memref_squeeze %dma_start3A_167 : memref<1x256xi32, #tpu.memory_space<vmem>> -> memref<256xi32, #tpu.memory_space<vmem>>
        %dma_start3A_169 = arith.constant 0 : i32
        %dma_start3A_170 = arith.constant 0 : i32
        %dma_start3A_171 = tpu.memref_slice %arg3[%dma_start3A_169, %dma_start3A_170] : memref<100000x64xf32, #tpu.memory_space<hbm>> -> memref<100000x64xf32, #tpu.memory_space<hbm>>
        tpu.enqueue_indirect_dma source(%dma_start3A_171 : memref<100000x64xf32, #tpu.memory_space<hbm>>) target(%arg8 : memref<256x64xf32, #tpu.memory_space<vmem>>) offsets(%dma_start3A_168 : memref<256xi32, #tpu.memory_space<vmem>>) semaphore(%arg13 : memref<!tpu.dma_semaphore, #tpu.memory_space<semaphore_mem>>)
      } else {
      }
      %dma_wait3A_135 = arith.constant 0 : i32
      %dma_wait3A_136 = tpu.memref_slice %arg7[%add3A_129, %dma_wait3A_135] : memref<100x256xi32, #tpu.memory_space<vmem>> -> memref<1x256xi32, #tpu.memory_space<vmem>>
      %dma_wait3A_137 = tpu.memref_squeeze %dma_wait3A_136 : memref<1x256xi32, #tpu.memory_space<vmem>> -> memref<256xi32, #tpu.memory_space<vmem>>
      %dma_wait3A_138 = arith.constant 0 : i32
      %dma_wait3A_139 = arith.constant 0 : i32
      %dma_wait3A_140 = tpu.memref_slice %arg3[%dma_wait3A_138, %dma_wait3A_139] : memref<100000x64xf32, #tpu.memory_space<hbm>> -> memref<100000x64xf32, #tpu.memory_space<hbm>>
      tpu.wait_indirect_dma semaphore(%arg14 : memref<!tpu.dma_semaphore, #tpu.memory_space<semaphore_mem>>) src(%dma_wait3A_140 : memref<100000x64xf32, #tpu.memory_space<hbm>>) dst(%arg9 : memref<256x64xf32, #tpu.memory_space<vmem>>)
      %gt3A_141 = arith.constant 0 : i32
      %gt3A_142 = arith.cmpi sgt, %scan3A_88, %gt3A_141 : i32
      %convert_element_type3A_143 = arith.extui %gt3A_142 : i1 to i32
      %cond3A_144 = arith.constant 0 : i32
      %cond3A_145 = arith.cmpi ne, %convert_element_type3A_143, %cond3A_144 : i32
      scf.if %cond3A_145 {
        %sub3A_164 = arith.constant 2 : i32
        %sub3A_165 = arith.subi %add3A_129, %sub3A_164 : i32
        %add3A_166 = arith.addi %mul3A_34, %sub3A_165 : i32
        %dma_wait3A_167 = arith.constant 0 : i32
        %dma_wait3A_168 = arith.constant 0 : i32
        %dma_wait3A_169 = arith.constant 0 : i32
        %dma_wait3A_170 = tpu.memref_slice %arg5[%add3A_166, %dma_wait3A_167, %mul3A_52, %dma_wait3A_168, %dma_wait3A_169] : memref<200x8x32x8x128xf32, #tpu.memory_space<hbm>> -> memref<1x8x2x8x128xf32, #tpu.memory_space<hbm>>
        %dma_wait3A_171 = tpu.memref_squeeze %dma_wait3A_170 : memref<1x8x2x8x128xf32, #tpu.memory_space<hbm>> -> memref<8x2x8x128xf32, #tpu.memory_space<hbm>>
        %dma_wait3A_172 = arith.constant 0 : i32
        %dma_wait3A_173 = arith.constant 0 : i32
        %dma_wait3A_174 = arith.constant 0 : i32
        %dma_wait3A_175 = tpu.memref_slice %arg5[%add3A_166, %dma_wait3A_172, %mul3A_52, %dma_wait3A_173, %dma_wait3A_174] : memref<200x8x32x8x128xf32, #tpu.memory_space<hbm>> -> memref<1x8x2x8x128xf32, #tpu.memory_space<hbm>>
        %dma_wait3A_176 = tpu.memref_squeeze %dma_wait3A_175 : memref<1x8x2x8x128xf32, #tpu.memory_space<hbm>> -> memref<8x2x8x128xf32, #tpu.memory_space<hbm>>
        tpu.wait_dma2 semaphore(%arg16 : memref<!tpu.dma_semaphore, #tpu.memory_space<semaphore_mem>>) src(%arg12 : memref<8x2x8x128xf32, #tpu.memory_space<vmem>>) dst(%dma_wait3A_176 : memref<8x2x8x128xf32, #tpu.memory_space<hbm>>)
      } else {
      }
      %parallel_loop3A_146 = arith.constant 0 : i32
      %parallel_loop3A_147 = arith.constant 256 : i32
      %parallel_loop3A_148 = arith.constant 1 : i32
      scf.for %parallel_loop3A_164 = %parallel_loop3A_146 to %parallel_loop3A_147 step %parallel_loop3A_148  : i32 {
        %parallel_loop3A_165 = arith.index_cast %parallel_loop3A_164 : i32 to index
        %parallel_loop3A_166 = arith.constant 0 : index
        %parallel_loop3A_167 = tpu.vector_load %arg9[%parallel_loop3A_165, %parallel_loop3A_166] {strides = array<i32>} : memref<256x64xf32, #tpu.memory_space<vmem>>, vector<16xf32>,
        %parallel_loop3A_168 = arith.index_cast %parallel_loop3A_164 : i32 to index
        %parallel_loop3A_169 = arith.constant 0 : index
        %parallel_loop3A_170 = tpu.vector_load %arg10[%parallel_loop3A_168, %parallel_loop3A_169] {strides = array<i32>} : memref<256x65xf32, #tpu.memory_space<vmem>>, vector<16xf32>,
        tpu.vector_store %arg10[%parallel_loop3A_168, %parallel_loop3A_169], %parallel_loop3A_167 {strides = array<i32>} : memref<256x65xf32, #tpu.memory_space<vmem>>, vector<16xf32>,
        %parallel_loop3A_171 = arith.index_cast %parallel_loop3A_164 : i32 to index
        %parallel_loop3A_172 = arith.constant 16 : index
        %parallel_loop3A_173 = tpu.vector_load %arg9[%parallel_loop3A_171, %parallel_loop3A_172] {strides = array<i32>} : memref<256x64xf32, #tpu.memory_space<vmem>>, vector<16xf32>,
        %parallel_loop3A_174 = arith.index_cast %parallel_loop3A_164 : i32 to index
        %parallel_loop3A_175 = arith.constant 16 : index
        %parallel_loop3A_176 = tpu.vector_load %arg10[%parallel_loop3A_174, %parallel_loop3A_175] {strides = array<i32>} : memref<256x65xf32, #tpu.memory_space<vmem>>, vector<16xf32>,
        tpu.vector_store %arg10[%parallel_loop3A_174, %parallel_loop3A_175], %parallel_loop3A_173 {strides = array<i32>} : memref<256x65xf32, #tpu.memory_space<vmem>>, vector<16xf32>,
        %parallel_loop3A_177 = arith.index_cast %parallel_loop3A_164 : i32 to index
        %parallel_loop3A_178 = arith.constant 32 : index
        %parallel_loop3A_179 = tpu.vector_load %arg9[%parallel_loop3A_177, %parallel_loop3A_178] {strides = array<i32>} : memref<256x64xf32, #tpu.memory_space<vmem>>, vector<16xf32>,
        %parallel_loop3A_180 = arith.index_cast %parallel_loop3A_164 : i32 to index
        %parallel_loop3A_181 = arith.constant 32 : index
        %parallel_loop3A_182 = tpu.vector_load %arg10[%parallel_loop3A_180, %parallel_loop3A_181] {strides = array<i32>} : memref<256x65xf32, #tpu.memory_space<vmem>>, vector<16xf32>,
        tpu.vector_store %arg10[%parallel_loop3A_180, %parallel_loop3A_181], %parallel_loop3A_179 {strides = array<i32>} : memref<256x65xf32, #tpu.memory_space<vmem>>, vector<16xf32>,
        %parallel_loop3A_183 = arith.index_cast %parallel_loop3A_164 : i32 to index
        %parallel_loop3A_184 = arith.constant 48 : index
        %parallel_loop3A_185 = tpu.vector_load %arg9[%parallel_loop3A_183, %parallel_loop3A_184] {strides = array<i32>} : memref<256x64xf32, #tpu.memory_space<vmem>>, vector<16xf32>,
        %parallel_loop3A_186 = arith.index_cast %parallel_loop3A_164 : i32 to index
        %parallel_loop3A_187 = arith.constant 48 : index
        %parallel_loop3A_188 = tpu.vector_load %arg10[%parallel_loop3A_186, %parallel_loop3A_187] {strides = array<i32>} : memref<256x65xf32, #tpu.memory_space<vmem>>, vector<16xf32>,
        tpu.vector_store %arg10[%parallel_loop3A_186, %parallel_loop3A_187], %parallel_loop3A_185 {strides = array<i32>} : memref<256x65xf32, #tpu.memory_space<vmem>>, vector<16xf32>,
      } {sc.loop_unroll_factor = 4 : i64, sc.parallel_access}
      %parallel_loop3A_149 = arith.constant 0 : i32
      %parallel_loop3A_150 = arith.constant 64 : i32
      %parallel_loop3A_151 = arith.constant 1 : i32
      scf.for %parallel_loop3A_164 = %parallel_loop3A_149 to %parallel_loop3A_150 step %parallel_loop3A_151  : i32 {
        %parallel_loop3A_165 = vector.broadcast %parallel_loop3A_164 : i32 to vector<16xi32>
        %parallel_loop3A_166 = arith.addi %mul3A_34, %add3A_129 : i32
        %parallel_loop3A_167 = vector.broadcast %parallel_loop3A_166 : i32 to vector<16xi32>
        %parallel_loop3A_168 = tpu.vector_load_idx %arg6[%parallel_loop3A_165, %parallel_loop3A_167] : memref<64x200xf32, #tpu.memory_space<vmem>>[vector<16xi32>, vector<16xi32>], vector<16xf32>,
        %parallel_loop3A_169 = arith.constant 8 : i32
        %parallel_loop3A_170 = arith.divsi %parallel_loop3A_164, %parallel_loop3A_169 : i32
        %parallel_loop3A_171 = arith.constant 0 : i32
        %parallel_loop3A_172 = arith.cmpi sgt, %parallel_loop3A_164, %parallel_loop3A_171 : i32
        %parallel_loop3A_173 = arith.extui %parallel_loop3A_172 : i1 to i32
        %parallel_loop3A_174 = arith.constant 0 : i32
        %parallel_loop3A_175 = arith.cmpi slt, %parallel_loop3A_164, %parallel_loop3A_174 : i32
        %parallel_loop3A_176 = arith.extui %parallel_loop3A_175 : i1 to i32
        %parallel_loop3A_177 = arith.subi %parallel_loop3A_173, %parallel_loop3A_176 : i32
        %parallel_loop3A_178 = arith.constant 0 : i32
        %parallel_loop3A_179 = arith.cmpi sgt, %parallel_loop3A_169, %parallel_loop3A_178 : i32
        %parallel_loop3A_180 = arith.extui %parallel_loop3A_179 : i1 to i32
        %parallel_loop3A_181 = arith.constant 0 : i32
        %parallel_loop3A_182 = arith.cmpi slt, %parallel_loop3A_169, %parallel_loop3A_181 : i32
        %parallel_loop3A_183 = arith.extui %parallel_loop3A_182 : i1 to i32
        %parallel_loop3A_184 = arith.subi %parallel_loop3A_180, %parallel_loop3A_183 : i32
        %parallel_loop3A_185 = arith.cmpi ne, %parallel_loop3A_177, %parallel_loop3A_184 : i32
        %parallel_loop3A_186 = arith.remsi %parallel_loop3A_164, %parallel_loop3A_169 : i32
        %parallel_loop3A_187 = arith.constant 0 : i32
        %parallel_loop3A_188 = arith.cmpi ne, %parallel_loop3A_186, %parallel_loop3A_187 : i32
        %parallel_loop3A_189 = arith.andi %parallel_loop3A_185, %parallel_loop3A_188 : i1
        %parallel_loop3A_190 = arith.constant 1 : i32
        %parallel_loop3A_191 = arith.subi %parallel_loop3A_170, %parallel_loop3A_190 : i32
        %parallel_loop3A_192 = arith.select %parallel_loop3A_189, %parallel_loop3A_191, %parallel_loop3A_170 : i32
        %parallel_loop3A_193 = arith.constant 8 : i32
        %parallel_loop3A_194 = arith.constant 0 : i32
        %parallel_loop3A_195 = arith.cmpi eq, %parallel_loop3A_193, %parallel_loop3A_194 : i32
        %parallel_loop3A_196 = arith.constant 1 : i32
        %parallel_loop3A_197 = arith.select %parallel_loop3A_195, %parallel_loop3A_196, %parallel_loop3A_193 : i32
        %parallel_loop3A_198 = arith.remsi %parallel_loop3A_164, %parallel_loop3A_197 : i32
        %parallel_loop3A_199 = arith.constant 0 : i32
        %parallel_loop3A_200 = arith.cmpi ne, %parallel_loop3A_198, %parallel_loop3A_199 : i32
        %parallel_loop3A_201 = arith.constant 0 : i32
        %parallel_loop3A_202 = arith.cmpi slt, %parallel_loop3A_198, %parallel_loop3A_201 : i32
        %parallel_loop3A_203 = arith.constant 0 : i32
        %parallel_loop3A_204 = arith.cmpi slt, %parallel_loop3A_197, %parallel_loop3A_203 : i32
        %parallel_loop3A_205 = arith.xori %parallel_loop3A_202, %parallel_loop3A_204 : i1
        %parallel_loop3A_206 = arith.andi %parallel_loop3A_205, %parallel_loop3A_200 : i1
        %parallel_loop3A_207 = arith.addi %parallel_loop3A_198, %parallel_loop3A_197 : i32
        %parallel_loop3A_208 = arith.select %parallel_loop3A_206, %parallel_loop3A_207, %parallel_loop3A_198 : i32
        %parallel_loop3A_209 = arith.constant 0 : i32
        %parallel_loop3A_210 = vector.broadcast %parallel_loop3A_209 : i32 to vector<16xi32>
        %parallel_loop3A_211 = arith.addi %iota3A, %parallel_loop3A_210 : vector<16xi32>
        %parallel_loop3A_212 = vector.broadcast %parallel_loop3A_164 : i32 to vector<16xi32>
        %parallel_loop3A_213 = tpu.vector_load_idx %arg10[%parallel_loop3A_211, %parallel_loop3A_212] : memref<256x65xf32, #tpu.memory_space<vmem>>[vector<16xi32>, vector<16xi32>], vector<16xf32>,
        %parallel_loop3A_214 = arith.addf %parallel_loop3A_213, %parallel_loop3A_168 : vector<16xf32>
        %parallel_loop3A_215 = arith.constant 0 : i32
        %parallel_loop3A_216 = arith.index_cast %parallel_loop3A_192 : i32 to index
        %parallel_loop3A_217 = arith.index_cast %parallel_loop3A_215 : i32 to index
        %parallel_loop3A_218 = arith.index_cast %parallel_loop3A_208 : i32 to index
        %parallel_loop3A_219 = arith.constant 0 : index
        %parallel_loop3A_220 = tpu.vector_load %arg12[%parallel_loop3A_216, %parallel_loop3A_217, %parallel_loop3A_218, %parallel_loop3A_219] {strides = array<i32>} : memref<8x2x8x128xf32, #tpu.memory_space<vmem>>, vector<16xf32>,
        tpu.vector_store %arg12[%parallel_loop3A_216, %parallel_loop3A_217, %parallel_loop3A_218, %parallel_loop3A_219], %parallel_loop3A_214 {strides = array<i32>} : memref<8x2x8x128xf32, #tpu.memory_space<vmem>>, vector<16xf32>,
        %parallel_loop3A_221 = arith.constant 16 : i32
        %parallel_loop3A_222 = vector.broadcast %parallel_loop3A_221 : i32 to vector<16xi32>
        %parallel_loop3A_223 = arith.addi %iota3A, %parallel_loop3A_222 : vector<16xi32>
        %parallel_loop3A_224 = vector.broadcast %parallel_loop3A_164 : i32 to vector<16xi32>
        %parallel_loop3A_225 = tpu.vector_load_idx %arg10[%parallel_loop3A_223, %parallel_loop3A_224] : memref<256x65xf32, #tpu.memory_space<vmem>>[vector<16xi32>, vector<16xi32>], vector<16xf32>,
        %parallel_loop3A_226 = arith.addf %parallel_loop3A_225, %parallel_loop3A_168 : vector<16xf32>
        %parallel_loop3A_227 = arith.constant 0 : i32
        %parallel_loop3A_228 = arith.index_cast %parallel_loop3A_192 : i32 to index
        %parallel_loop3A_229 = arith.index_cast %parallel_loop3A_227 : i32 to index
        %parallel_loop3A_230 = arith.index_cast %parallel_loop3A_208 : i32 to index
        %parallel_loop3A_231 = arith.constant 16 : index
        %parallel_loop3A_232 = tpu.vector_load %arg12[%parallel_loop3A_228, %parallel_loop3A_229, %parallel_loop3A_230, %parallel_loop3A_231] {strides = array<i32>} : memref<8x2x8x128xf32, #tpu.memory_space<vmem>>, vector<16xf32>,
        tpu.vector_store %arg12[%parallel_loop3A_228, %parallel_loop3A_229, %parallel_loop3A_230, %parallel_loop3A_231], %parallel_loop3A_226 {strides = array<i32>} : memref<8x2x8x128xf32, #tpu.memory_space<vmem>>, vector<16xf32>,
        %parallel_loop3A_233 = arith.constant 32 : i32
        %parallel_loop3A_234 = vector.broadcast %parallel_loop3A_233 : i32 to vector<16xi32>
        %parallel_loop3A_235 = arith.addi %iota3A, %parallel_loop3A_234 : vector<16xi32>
        %parallel_loop3A_236 = vector.broadcast %parallel_loop3A_164 : i32 to vector<16xi32>
        %parallel_loop3A_237 = tpu.vector_load_idx %arg10[%parallel_loop3A_235, %parallel_loop3A_236] : memref<256x65xf32, #tpu.memory_space<vmem>>[vector<16xi32>, vector<16xi32>], vector<16xf32>,
        %parallel_loop3A_238 = arith.addf %parallel_loop3A_237, %parallel_loop3A_168 : vector<16xf32>
        %parallel_loop3A_239 = arith.constant 0 : i32
        %parallel_loop3A_240 = arith.index_cast %parallel_loop3A_192 : i32 to index
        %parallel_loop3A_241 = arith.index_cast %parallel_loop3A_239 : i32 to index
        %parallel_loop3A_242 = arith.index_cast %parallel_loop3A_208 : i32 to index
        %parallel_loop3A_243 = arith.constant 32 : index
        %parallel_loop3A_244 = tpu.vector_load %arg12[%parallel_loop3A_240, %parallel_loop3A_241, %parallel_loop3A_242, %parallel_loop3A_243] {strides = array<i32>} : memref<8x2x8x128xf32, #tpu.memory_space<vmem>>, vector<16xf32>,
        tpu.vector_store %arg12[%parallel_loop3A_240, %parallel_loop3A_241, %parallel_loop3A_242, %parallel_loop3A_243], %parallel_loop3A_238 {strides = array<i32>} : memref<8x2x8x128xf32, #tpu.memory_space<vmem>>, vector<16xf32>,
        %parallel_loop3A_245 = arith.constant 48 : i32
        %parallel_loop3A_246 = vector.broadcast %parallel_loop3A_245 : i32 to vector<16xi32>
        %parallel_loop3A_247 = arith.addi %iota3A, %parallel_loop3A_246 : vector<16xi32>
        %parallel_loop3A_248 = vector.broadcast %parallel_loop3A_164 : i32 to vector<16xi32>
        %parallel_loop3A_249 = tpu.vector_load_idx %arg10[%parallel_loop3A_247, %parallel_loop3A_248] : memref<256x65xf32, #tpu.memory_space<vmem>>[vector<16xi32>, vector<16xi32>], vector<16xf32>,
        %parallel_loop3A_250 = arith.addf %parallel_loop3A_249, %parallel_loop3A_168 : vector<16xf32>
        %parallel_loop3A_251 = arith.constant 0 : i32
        %parallel_loop3A_252 = arith.index_cast %parallel_loop3A_192 : i32 to index
        %parallel_loop3A_253 = arith.index_cast %parallel_loop3A_251 : i32 to index
        %parallel_loop3A_254 = arith.index_cast %parallel_loop3A_208 : i32 to index
        %parallel_loop3A_255 = arith.constant 48 : index
        %parallel_loop3A_256 = tpu.vector_load %arg12[%parallel_loop3A_252, %parallel_loop3A_253, %parallel_loop3A_254, %parallel_loop3A_255] {strides = array<i32>} : memref<8x2x8x128xf32, #tpu.memory_space<vmem>>, vector<16xf32>,
        tpu.vector_store %arg12[%parallel_loop3A_252, %parallel_loop3A_253, %parallel_loop3A_254, %parallel_loop3A_255], %parallel_loop3A_250 {strides = array<i32>} : memref<8x2x8x128xf32, #tpu.memory_space<vmem>>, vector<16xf32>,
        %parallel_loop3A_257 = arith.constant 64 : i32
        %parallel_loop3A_258 = vector.broadcast %parallel_loop3A_257 : i32 to vector<16xi32>
        %parallel_loop3A_259 = arith.addi %iota3A, %parallel_loop3A_258 : vector<16xi32>
        %parallel_loop3A_260 = vector.broadcast %parallel_loop3A_164 : i32 to vector<16xi32>
        %parallel_loop3A_261 = tpu.vector_load_idx %arg10[%parallel_loop3A_259, %parallel_loop3A_260] : memref<256x65xf32, #tpu.memory_space<vmem>>[vector<16xi32>, vector<16xi32>], vector<16xf32>,
        %parallel_loop3A_262 = arith.addf %parallel_loop3A_261, %parallel_loop3A_168 : vector<16xf32>
        %parallel_loop3A_263 = arith.constant 0 : i32
        %parallel_loop3A_264 = arith.index_cast %parallel_loop3A_192 : i32 to index
        %parallel_loop3A_265 = arith.index_cast %parallel_loop3A_263 : i32 to index
        %parallel_loop3A_266 = arith.index_cast %parallel_loop3A_208 : i32 to index
        %parallel_loop3A_267 = arith.constant 64 : index
        %parallel_loop3A_268 = tpu.vector_load %arg12[%parallel_loop3A_264, %parallel_loop3A_265, %parallel_loop3A_266, %parallel_loop3A_267] {strides = array<i32>} : memref<8x2x8x128xf32, #tpu.memory_space<vmem>>, vector<16xf32>,
        tpu.vector_store %arg12[%parallel_loop3A_264, %parallel_loop3A_265, %parallel_loop3A_266, %parallel_loop3A_267], %parallel_loop3A_262 {strides = array<i32>} : memref<8x2x8x128xf32, #tpu.memory_space<vmem>>, vector<16xf32>,
        %parallel_loop3A_269 = arith.constant 80 : i32
        %parallel_loop3A_270 = vector.broadcast %parallel_loop3A_269 : i32 to vector<16xi32>
        %parallel_loop3A_271 = arith.addi %iota3A, %parallel_loop3A_270 : vector<16xi32>
        %parallel_loop3A_272 = vector.broadcast %parallel_loop3A_164 : i32 to vector<16xi32>
        %parallel_loop3A_273 = tpu.vector_load_idx %arg10[%parallel_loop3A_271, %parallel_loop3A_272] : memref<256x65xf32, #tpu.memory_space<vmem>>[vector<16xi32>, vector<16xi32>], vector<16xf32>,
        %parallel_loop3A_274 = arith.addf %parallel_loop3A_273, %parallel_loop3A_168 : vector<16xf32>
        %parallel_loop3A_275 = arith.constant 0 : i32
        %parallel_loop3A_276 = arith.index_cast %parallel_loop3A_192 : i32 to index
        %parallel_loop3A_277 = arith.index_cast %parallel_loop3A_275 : i32 to index
        %parallel_loop3A_278 = arith.index_cast %parallel_loop3A_208 : i32 to index
        %parallel_loop3A_279 = arith.constant 80 : index
        %parallel_loop3A_280 = tpu.vector_load %arg12[%parallel_loop3A_276, %parallel_loop3A_277, %parallel_loop3A_278, %parallel_loop3A_279] {strides = array<i32>} : memref<8x2x8x128xf32, #tpu.memory_space<vmem>>, vector<16xf32>,
        tpu.vector_store %arg12[%parallel_loop3A_276, %parallel_loop3A_277, %parallel_loop3A_278, %parallel_loop3A_279], %parallel_loop3A_274 {strides = array<i32>} : memref<8x2x8x128xf32, #tpu.memory_space<vmem>>, vector<16xf32>,
        %parallel_loop3A_281 = arith.constant 96 : i32
        %parallel_loop3A_282 = vector.broadcast %parallel_loop3A_281 : i32 to vector<16xi32>
        %parallel_loop3A_283 = arith.addi %iota3A, %parallel_loop3A_282 : vector<16xi32>
        %parallel_loop3A_284 = vector.broadcast %parallel_loop3A_164 : i32 to vector<16xi32>
        %parallel_loop3A_285 = tpu.vector_load_idx %arg10[%parallel_loop3A_283, %parallel_loop3A_284] : memref<256x65xf32, #tpu.memory_space<vmem>>[vector<16xi32>, vector<16xi32>], vector<16xf32>,
        %parallel_loop3A_286 = arith.addf %parallel_loop3A_285, %parallel_loop3A_168 : vector<16xf32>
        %parallel_loop3A_287 = arith.constant 0 : i32
        %parallel_loop3A_288 = arith.index_cast %parallel_loop3A_192 : i32 to index
        %parallel_loop3A_289 = arith.index_cast %parallel_loop3A_287 : i32 to index
        %parallel_loop3A_290 = arith.index_cast %parallel_loop3A_208 : i32 to index
        %parallel_loop3A_291 = arith.constant 96 : index
        %parallel_loop3A_292 = tpu.vector_load %arg12[%parallel_loop3A_288, %parallel_loop3A_289, %parallel_loop3A_290, %parallel_loop3A_291] {strides = array<i32>} : memref<8x2x8x128xf32, #tpu.memory_space<vmem>>, vector<16xf32>,
        tpu.vector_store %arg12[%parallel_loop3A_288, %parallel_loop3A_289, %parallel_loop3A_290, %parallel_loop3A_291], %parallel_loop3A_286 {strides = array<i32>} : memref<8x2x8x128xf32, #tpu.memory_space<vmem>>, vector<16xf32>,
        %parallel_loop3A_293 = arith.constant 112 : i32
        %parallel_loop3A_294 = vector.broadcast %parallel_loop3A_293 : i32 to vector<16xi32>
        %parallel_loop3A_295 = arith.addi %iota3A, %parallel_loop3A_294 : vector<16xi32>
        %parallel_loop3A_296 = vector.broadcast %parallel_loop3A_164 : i32 to vector<16xi32>
        %parallel_loop3A_297 = tpu.vector_load_idx %arg10[%parallel_loop3A_295, %parallel_loop3A_296] : memref<256x65xf32, #tpu.memory_space<vmem>>[vector<16xi32>, vector<16xi32>], vector<16xf32>,
        %parallel_loop3A_298 = arith.addf %parallel_loop3A_297, %parallel_loop3A_168 : vector<16xf32>
        %parallel_loop3A_299 = arith.constant 0 : i32
        %parallel_loop3A_300 = arith.index_cast %parallel_loop3A_192 : i32 to index
        %parallel_loop3A_301 = arith.index_cast %parallel_loop3A_299 : i32 to index
        %parallel_loop3A_302 = arith.index_cast %parallel_loop3A_208 : i32 to index
        %parallel_loop3A_303 = arith.constant 112 : index
        %parallel_loop3A_304 = tpu.vector_load %arg12[%parallel_loop3A_300, %parallel_loop3A_301, %parallel_loop3A_302, %parallel_loop3A_303] {strides = array<i32>} : memref<8x2x8x128xf32, #tpu.memory_space<vmem>>, vector<16xf32>,
        tpu.vector_store %arg12[%parallel_loop3A_300, %parallel_loop3A_301, %parallel_loop3A_302, %parallel_loop3A_303], %parallel_loop3A_298 {strides = array<i32>} : memref<8x2x8x128xf32, #tpu.memory_space<vmem>>, vector<16xf32>,
        %parallel_loop3A_305 = arith.constant 128 : i32
        %parallel_loop3A_306 = vector.broadcast %parallel_loop3A_305 : i32 to vector<16xi32>
        %parallel_loop3A_307 = arith.addi %iota3A, %parallel_loop3A_306 : vector<16xi32>
        %parallel_loop3A_308 = vector.broadcast %parallel_loop3A_164 : i32 to vector<16xi32>
        %parallel_loop3A_309 = tpu.vector_load_idx %arg10[%parallel_loop3A_307, %parallel_loop3A_308] : memref<256x65xf32, #tpu.memory_space<vmem>>[vector<16xi32>, vector<16xi32>], vector<16xf32>,
        %parallel_loop3A_310 = arith.addf %parallel_loop3A_309, %parallel_loop3A_168 : vector<16xf32>
        %parallel_loop3A_311 = arith.constant 1 : i32
        %parallel_loop3A_312 = arith.index_cast %parallel_loop3A_192 : i32 to index
        %parallel_loop3A_313 = arith.index_cast %parallel_loop3A_311 : i32 to index
        %parallel_loop3A_314 = arith.index_cast %parallel_loop3A_208 : i32 to index
        %parallel_loop3A_315 = arith.constant 0 : index
        %parallel_loop3A_316 = tpu.vector_load %arg12[%parallel_loop3A_312, %parallel_loop3A_313, %parallel_loop3A_314, %parallel_loop3A_315] {strides = array<i32>} : memref<8x2x8x128xf32, #tpu.memory_space<vmem>>, vector<16xf32>,
        tpu.vector_store %arg12[%parallel_loop3A_312, %parallel_loop3A_313, %parallel_loop3A_314, %parallel_loop3A_315], %parallel_loop3A_310 {strides = array<i32>} : memref<8x2x8x128xf32, #tpu.memory_space<vmem>>, vector<16xf32>,
        %parallel_loop3A_317 = arith.constant 144 : i32
        %parallel_loop3A_318 = vector.broadcast %parallel_loop3A_317 : i32 to vector<16xi32>
        %parallel_loop3A_319 = arith.addi %iota3A, %parallel_loop3A_318 : vector<16xi32>
        %parallel_loop3A_320 = vector.broadcast %parallel_loop3A_164 : i32 to vector<16xi32>
        %parallel_loop3A_321 = tpu.vector_load_idx %arg10[%parallel_loop3A_319, %parallel_loop3A_320] : memref<256x65xf32, #tpu.memory_space<vmem>>[vector<16xi32>, vector<16xi32>], vector<16xf32>,
        %parallel_loop3A_322 = arith.addf %parallel_loop3A_321, %parallel_loop3A_168 : vector<16xf32>
        %parallel_loop3A_323 = arith.constant 1 : i32
        %parallel_loop3A_324 = arith.index_cast %parallel_loop3A_192 : i32 to index
        %parallel_loop3A_325 = arith.index_cast %parallel_loop3A_323 : i32 to index
        %parallel_loop3A_326 = arith.index_cast %parallel_loop3A_208 : i32 to index
        %parallel_loop3A_327 = arith.constant 16 : index
        %parallel_loop3A_328 = tpu.vector_load %arg12[%parallel_loop3A_324, %parallel_loop3A_325, %parallel_loop3A_326, %parallel_loop3A_327] {strides = array<i32>} : memref<8x2x8x128xf32, #tpu.memory_space<vmem>>, vector<16xf32>,
        tpu.vector_store %arg12[%parallel_loop3A_324, %parallel_loop3A_325, %parallel_loop3A_326, %parallel_loop3A_327], %parallel_loop3A_322 {strides = array<i32>} : memref<8x2x8x128xf32, #tpu.memory_space<vmem>>, vector<16xf32>,
        %parallel_loop3A_329 = arith.constant 160 : i32
        %parallel_loop3A_330 = vector.broadcast %parallel_loop3A_329 : i32 to vector<16xi32>
        %parallel_loop3A_331 = arith.addi %iota3A, %parallel_loop3A_330 : vector<16xi32>
        %parallel_loop3A_332 = vector.broadcast %parallel_loop3A_164 : i32 to vector<16xi32>
        %parallel_loop3A_333 = tpu.vector_load_idx %arg10[%parallel_loop3A_331, %parallel_loop3A_332] : memref<256x65xf32, #tpu.memory_space<vmem>>[vector<16xi32>, vector<16xi32>], vector<16xf32>,
        %parallel_loop3A_334 = arith.addf %parallel_loop3A_333, %parallel_loop3A_168 : vector<16xf32>
        %parallel_loop3A_335 = arith.constant 1 : i32
        %parallel_loop3A_336 = arith.index_cast %parallel_loop3A_192 : i32 to index
        %parallel_loop3A_337 = arith.index_cast %parallel_loop3A_335 : i32 to index
        %parallel_loop3A_338 = arith.index_cast %parallel_loop3A_208 : i32 to index
        %parallel_loop3A_339 = arith.constant 32 : index
        %parallel_loop3A_340 = tpu.vector_load %arg12[%parallel_loop3A_336, %parallel_loop3A_337, %parallel_loop3A_338, %parallel_loop3A_339] {strides = array<i32>} : memref<8x2x8x128xf32, #tpu.memory_space<vmem>>, vector<16xf32>,
        tpu.vector_store %arg12[%parallel_loop3A_336, %parallel_loop3A_337, %parallel_loop3A_338, %parallel_loop3A_339], %parallel_loop3A_334 {strides = array<i32>} : memref<8x2x8x128xf32, #tpu.memory_space<vmem>>, vector<16xf32>,
        %parallel_loop3A_341 = arith.constant 176 : i32
        %parallel_loop3A_342 = vector.broadcast %parallel_loop3A_341 : i32 to vector<16xi32>
        %parallel_loop3A_343 = arith.addi %iota3A, %parallel_loop3A_342 : vector<16xi32>
        %parallel_loop3A_344 = vector.broadcast %parallel_loop3A_164 : i32 to vector<16xi32>
        %parallel_loop3A_345 = tpu.vector_load_idx %arg10[%parallel_loop3A_343, %parallel_loop3A_344] : memref<256x65xf32, #tpu.memory_space<vmem>>[vector<16xi32>, vector<16xi32>], vector<16xf32>,
        %parallel_loop3A_346 = arith.addf %parallel_loop3A_345, %parallel_loop3A_168 : vector<16xf32>
        %parallel_loop3A_347 = arith.constant 1 : i32
        %parallel_loop3A_348 = arith.index_cast %parallel_loop3A_192 : i32 to index
        %parallel_loop3A_349 = arith.index_cast %parallel_loop3A_347 : i32 to index
        %parallel_loop3A_350 = arith.index_cast %parallel_loop3A_208 : i32 to index
        %parallel_loop3A_351 = arith.constant 48 : index
        %parallel_loop3A_352 = tpu.vector_load %arg12[%parallel_loop3A_348, %parallel_loop3A_349, %parallel_loop3A_350, %parallel_loop3A_351] {strides = array<i32>} : memref<8x2x8x128xf32, #tpu.memory_space<vmem>>, vector<16xf32>,
        tpu.vector_store %arg12[%parallel_loop3A_348, %parallel_loop3A_349, %parallel_loop3A_350, %parallel_loop3A_351], %parallel_loop3A_346 {strides = array<i32>} : memref<8x2x8x128xf32, #tpu.memory_space<vmem>>, vector<16xf32>,
        %parallel_loop3A_353 = arith.constant 192 : i32
        %parallel_loop3A_354 = vector.broadcast %parallel_loop3A_353 : i32 to vector<16xi32>
        %parallel_loop3A_355 = arith.addi %iota3A, %parallel_loop3A_354 : vector<16xi32>
        %parallel_loop3A_356 = vector.broadcast %parallel_loop3A_164 : i32 to vector<16xi32>
        %parallel_loop3A_357 = tpu.vector_load_idx %arg10[%parallel_loop3A_355, %parallel_loop3A_356] : memref<256x65xf32, #tpu.memory_space<vmem>>[vector<16xi32>, vector<16xi32>], vector<16xf32>,
        %parallel_loop3A_358 = arith.addf %parallel_loop3A_357, %parallel_loop3A_168 : vector<16xf32>
        %parallel_loop3A_359 = arith.constant 1 : i32
        %parallel_loop3A_360 = arith.index_cast %parallel_loop3A_192 : i32 to index
        %parallel_loop3A_361 = arith.index_cast %parallel_loop3A_359 : i32 to index
        %parallel_loop3A_362 = arith.index_cast %parallel_loop3A_208 : i32 to index
        %parallel_loop3A_363 = arith.constant 64 : index
        %parallel_loop3A_364 = tpu.vector_load %arg12[%parallel_loop3A_360, %parallel_loop3A_361, %parallel_loop3A_362, %parallel_loop3A_363] {strides = array<i32>} : memref<8x2x8x128xf32, #tpu.memory_space<vmem>>, vector<16xf32>,
        tpu.vector_store %arg12[%parallel_loop3A_360, %parallel_loop3A_361, %parallel_loop3A_362, %parallel_loop3A_363], %parallel_loop3A_358 {strides = array<i32>} : memref<8x2x8x128xf32, #tpu.memory_space<vmem>>, vector<16xf32>,
        %parallel_loop3A_365 = arith.constant 208 : i32
        %parallel_loop3A_366 = vector.broadcast %parallel_loop3A_365 : i32 to vector<16xi32>
        %parallel_loop3A_367 = arith.addi %iota3A, %parallel_loop3A_366 : vector<16xi32>
        %parallel_loop3A_368 = vector.broadcast %parallel_loop3A_164 : i32 to vector<16xi32>
        %parallel_loop3A_369 = tpu.vector_load_idx %arg10[%parallel_loop3A_367, %parallel_loop3A_368] : memref<256x65xf32, #tpu.memory_space<vmem>>[vector<16xi32>, vector<16xi32>], vector<16xf32>,
        %parallel_loop3A_370 = arith.addf %parallel_loop3A_369, %parallel_loop3A_168 : vector<16xf32>
        %parallel_loop3A_371 = arith.constant 1 : i32
        %parallel_loop3A_372 = arith.index_cast %parallel_loop3A_192 : i32 to index
        %parallel_loop3A_373 = arith.index_cast %parallel_loop3A_371 : i32 to index
        %parallel_loop3A_374 = arith.index_cast %parallel_loop3A_208 : i32 to index
        %parallel_loop3A_375 = arith.constant 80 : index
        %parallel_loop3A_376 = tpu.vector_load %arg12[%parallel_loop3A_372, %parallel_loop3A_373, %parallel_loop3A_374, %parallel_loop3A_375] {strides = array<i32>} : memref<8x2x8x128xf32, #tpu.memory_space<vmem>>, vector<16xf32>,
        tpu.vector_store %arg12[%parallel_loop3A_372, %parallel_loop3A_373, %parallel_loop3A_374, %parallel_loop3A_375], %parallel_loop3A_370 {strides = array<i32>} : memref<8x2x8x128xf32, #tpu.memory_space<vmem>>, vector<16xf32>,
        %parallel_loop3A_377 = arith.constant 224 : i32
        %parallel_loop3A_378 = vector.broadcast %parallel_loop3A_377 : i32 to vector<16xi32>
        %parallel_loop3A_379 = arith.addi %iota3A, %parallel_loop3A_378 : vector<16xi32>
        %parallel_loop3A_380 = vector.broadcast %parallel_loop3A_164 : i32 to vector<16xi32>
        %parallel_loop3A_381 = tpu.vector_load_idx %arg10[%parallel_loop3A_379, %parallel_loop3A_380] : memref<256x65xf32, #tpu.memory_space<vmem>>[vector<16xi32>, vector<16xi32>], vector<16xf32>,
        %parallel_loop3A_382 = arith.addf %parallel_loop3A_381, %parallel_loop3A_168 : vector<16xf32>
        %parallel_loop3A_383 = arith.constant 1 : i32
        %parallel_loop3A_384 = arith.index_cast %parallel_loop3A_192 : i32 to index
        %parallel_loop3A_385 = arith.index_cast %parallel_loop3A_383 : i32 to index
        %parallel_loop3A_386 = arith.index_cast %parallel_loop3A_208 : i32 to index
        %parallel_loop3A_387 = arith.constant 96 : index
        %parallel_loop3A_388 = tpu.vector_load %arg12[%parallel_loop3A_384, %parallel_loop3A_385, %parallel_loop3A_386, %parallel_loop3A_387] {strides = array<i32>} : memref<8x2x8x128xf32, #tpu.memory_space<vmem>>, vector<16xf32>,
        tpu.vector_store %arg12[%parallel_loop3A_384, %parallel_loop3A_385, %parallel_loop3A_386, %parallel_loop3A_387], %parallel_loop3A_382 {strides = array<i32>} : memref<8x2x8x128xf32, #tpu.memory_space<vmem>>, vector<16xf32>,
        %parallel_loop3A_389 = arith.constant 240 : i32
        %parallel_loop3A_390 = vector.broadcast %parallel_loop3A_389 : i32 to vector<16xi32>
        %parallel_loop3A_391 = arith.addi %iota3A, %parallel_loop3A_390 : vector<16xi32>
        %parallel_loop3A_392 = vector.broadcast %parallel_loop3A_164 : i32 to vector<16xi32>
        %parallel_loop3A_393 = tpu.vector_load_idx %arg10[%parallel_loop3A_391, %parallel_loop3A_392] : memref<256x65xf32, #tpu.memory_space<vmem>>[vector<16xi32>, vector<16xi32>], vector<16xf32>,
        %parallel_loop3A_394 = arith.addf %parallel_loop3A_393, %parallel_loop3A_168 : vector<16xf32>
        %parallel_loop3A_395 = arith.constant 1 : i32
        %parallel_loop3A_396 = arith.index_cast %parallel_loop3A_192 : i32 to index
        %parallel_loop3A_397 = arith.index_cast %parallel_loop3A_395 : i32 to index
        %parallel_loop3A_398 = arith.index_cast %parallel_loop3A_208 : i32 to index
        %parallel_loop3A_399 = arith.constant 112 : index
        %parallel_loop3A_400 = tpu.vector_load %arg12[%parallel_loop3A_396, %parallel_loop3A_397, %parallel_loop3A_398, %parallel_loop3A_399] {strides = array<i32>} : memref<8x2x8x128xf32, #tpu.memory_space<vmem>>, vector<16xf32>,
        tpu.vector_store %arg12[%parallel_loop3A_396, %parallel_loop3A_397, %parallel_loop3A_398, %parallel_loop3A_399], %parallel_loop3A_394 {strides = array<i32>} : memref<8x2x8x128xf32, #tpu.memory_space<vmem>>, vector<16xf32>,
      } {sc.loop_unroll_factor = 2 : i64, sc.parallel_access}
      %add3A_152 = arith.addi %mul3A_34, %add3A_129 : i32
      %dma_start3A_153 = arith.constant 0 : i32
      %dma_start3A_154 = arith.constant 0 : i32
      %dma_start3A_155 = arith.constant 0 : i32
      %dma_start3A_156 = tpu.memref_slice %arg5[%add3A_152, %dma_start3A_153, %mul3A_52, %dma_start3A_154, %dma_start3A_155] : memref<200x8x32x8x128xf32, #tpu.memory_space<hbm>> -> memref<1x8x2x8x128xf32, #tpu.memory_space<hbm>>
      %dma_start3A_157 = tpu.memref_squeeze %dma_start3A_156 : memref<1x8x2x8x128xf32, #tpu.memory_space<hbm>> -> memref<8x2x8x128xf32, #tpu.memory_space<hbm>>
      %dma_start3A_158 = arith.constant 0 : i32
      %dma_start3A_159 = arith.constant 0 : i32
      %dma_start3A_160 = arith.constant 0 : i32
      %dma_start3A_161 = tpu.memref_slice %arg5[%add3A_152, %dma_start3A_158, %mul3A_52, %dma_start3A_159, %dma_start3A_160] : memref<200x8x32x8x128xf32, #tpu.memory_space<hbm>> -> memref<1x8x2x8x128xf32, #tpu.memory_space<hbm>>
      %dma_start3A_162 = tpu.memref_squeeze %dma_start3A_161 : memref<1x8x2x8x128xf32, #tpu.memory_space<hbm>> -> memref<8x2x8x128xf32, #tpu.memory_space<hbm>>
      tpu.enqueue_dma source(%arg12 : memref<8x2x8x128xf32, #tpu.memory_space<vmem>>) target(%dma_start3A_162 : memref<8x2x8x128xf32, #tpu.memory_space<hbm>>) target_semaphore(%arg16 : memref<!tpu.dma_semaphore, #tpu.memory_space<semaphore_mem>>)
      %scan3A_163 = arith.constant 0 : i32
      scf.yield %scan3A_163 : i32
    }
    %scan3A_64 = arith.constant 50 : i32
    %add3A_65 = arith.constant 98 : i32
    %add3A_66 = arith.addi %mul3A_34, %add3A_65 : i32
    %dma_wait3A = arith.constant 0 : i32
    %dma_wait3A_67 = arith.constant 0 : i32
    %dma_wait3A_68 = arith.constant 0 : i32
    %dma_wait3A_69 = tpu.memref_slice %arg5[%add3A_66, %dma_wait3A, %mul3A_52, %dma_wait3A_67, %dma_wait3A_68] : memref<200x8x32x8x128xf32, #tpu.memory_space<hbm>> -> memref<1x8x2x8x128xf32, #tpu.memory_space<hbm>>
    %dma_wait3A_70 = tpu.memref_squeeze %dma_wait3A_69 : memref<1x8x2x8x128xf32, #tpu.memory_space<hbm>> -> memref<8x2x8x128xf32, #tpu.memory_space<hbm>>
    %dma_wait3A_71 = arith.constant 0 : i32
    %dma_wait3A_72 = arith.constant 0 : i32
    %dma_wait3A_73 = arith.constant 0 : i32
    %dma_wait3A_74 = tpu.memref_slice %arg5[%add3A_66, %dma_wait3A_71, %mul3A_52, %dma_wait3A_72, %dma_wait3A_73] : memref<200x8x32x8x128xf32, #tpu.memory_space<hbm>> -> memref<1x8x2x8x128xf32, #tpu.memory_space<hbm>>
    %dma_wait3A_75 = tpu.memref_squeeze %dma_wait3A_74 : memref<1x8x2x8x128xf32, #tpu.memory_space<hbm>> -> memref<8x2x8x128xf32, #tpu.memory_space<hbm>>
    tpu.wait_dma2 semaphore(%arg15 : memref<!tpu.dma_semaphore, #tpu.memory_space<semaphore_mem>>) src(%arg11 : memref<8x2x8x128xf32, #tpu.memory_space<vmem>>) dst(%dma_wait3A_75 : memref<8x2x8x128xf32, #tpu.memory_space<hbm>>)
    %add3A_76 = arith.constant 99 : i32
    %add3A_77 = arith.addi %mul3A_34, %add3A_76 : i32
    %dma_wait3A_78 = arith.constant 0 : i32
    %dma_wait3A_79 = arith.constant 0 : i32
    %dma_wait3A_80 = arith.constant 0 : i32
    %dma_wait3A_81 = tpu.memref_slice %arg5[%add3A_77, %dma_wait3A_78, %mul3A_52, %dma_wait3A_79, %dma_wait3A_80] : memref<200x8x32x8x128xf32, #tpu.memory_space<hbm>> -> memref<1x8x2x8x128xf32, #tpu.memory_space<hbm>>
    %dma_wait3A_82 = tpu.memref_squeeze %dma_wait3A_81 : memref<1x8x2x8x128xf32, #tpu.memory_space<hbm>> -> memref<8x2x8x128xf32, #tpu.memory_space<hbm>>
    %dma_wait3A_83 = arith.constant 0 : i32
    %dma_wait3A_84 = arith.constant 0 : i32
    %dma_wait3A_85 = arith.constant 0 : i32
    %dma_wait3A_86 = tpu.memref_slice %arg5[%add3A_77, %dma_wait3A_83, %mul3A_52, %dma_wait3A_84, %dma_wait3A_85] : memref<200x8x32x8x128xf32, #tpu.memory_space<hbm>> -> memref<1x8x2x8x128xf32, #tpu.memory_space<hbm>>
    %dma_wait3A_87 = tpu.memref_squeeze %dma_wait3A_86 : memref<1x8x2x8x128xf32, #tpu.memory_space<hbm>> -> memref<8x2x8x128xf32, #tpu.memory_space<hbm>>
    tpu.wait_dma2 semaphore(%arg16 : memref<!tpu.dma_semaphore, #tpu.memory_space<semaphore_mem>>) src(%arg12 : memref<8x2x8x128xf32, #tpu.memory_space<vmem>>) dst(%dma_wait3A_87 : memref<8x2x8x128xf32, #tpu.memory_space<hbm>>)
    return
  }
}

</mosaic_0001>

<sc_bundles>
// kernel: _run.3.cloned.1.call-start
scs
__scs_entry_jumppad:
0x0: {  	(pc) =	sbr.rel $0x88, $3  }
0x1: {  	(tag) =	ssettag $0x0;
	lr =	simm.s32 $0x1  }
0x2: {  	[smem:$0x3F9E] =	sst lr;
	_ =	strace $0xD0000000  }
0x3: {  	_ = 	snop  }
0x4: {  	_ = 	snop  }
0x5: {  	_ = 	snop  }
0x6: {  	_ = 	snop  }
0x7: {  	_ = 	snop  }
__scs_overlays_trampoline_lowered:
0x8: {  	[smem:$0x3FAD] =	sst s0  }
0x9: {  	[smem:$0x3FAE] =	sst s1  }
0xa: {  	[smem:$0x3FAF] =	sst s2  }
0xb: {  	[smem:$0x3FB0] =	sst s3  }
0xc: {  	[smem:$0x3FB1] =	sst s4  }
0xd: {  	[smem:$0x3FB2] =	sst s5  }
0xe: {  	[smem:$0x3FB3] =	sst s6  }
0xf: {  	[smem:$0x3FB4] =	sst s7  }
0x10: {  	[smem:$0x3FB5] =	sst s8  }
0x11: {  	[smem:$0x3FB6] =	sst s9;
	s0 =	simm.s32 @!p0 $0x0  }
0x12: {  	s1 =	sld [smem:$0x3F9C];
	s0 =	simm.s32 @p0 $0x1  }
0x13: {  	[smem:$0x3FB7] =	sst s0;
	s0 =	simm.s32 @!p1 $0x0  }
0x14: {  	s2 =	sld [smem:$0x3F9B];
	s0 =	simm.s32 @p1 $0x1  }
0x15: {  	[smem:$0x3FB8] =	sst s0;
	s0 =	simm.s32 @!p2 $0x0  }
0x16: {  	s3 =	sld [smem:$0x3FDB];
	s0 =	simm.s32 @p2 $0x1  }
0x17: {  	s4 =	simm.s32 $0x1BF5;
	[smem:$0x3FBA] =	sst s0  }
0x18: {  	s0 =	sld [smem:$0x3F9D];
	_ =	swait.ge [sflag:s4], $0x0  }
0x19: {  	s7 =	sld [smem:$0x3F9E]  }
0x1a: {  	s8 =	sadd.s32 $0xFFFFE003, lr  }
0x1b: {  	s9 =	sadd.s32 $0xFFFFFEF7, lr;
	s5 =	simm.s32 $0xFFFFFFFF;
	p2 =	slt.u32 s8, $0xFFFFF086  }
0x1c: {  	p1 =	slt.u32 s9, $0xF7A;
	s5 =	simm.s32 @!p2 $0x0  }
0x1d: {  	s5 =	simm.s32 @p1 $0x1;
	p0 =	seq.s32 s7, s2  }
0x1e: {  	s7 =	smul.u32 @!p0 $0xF7A, s2;
	p2 =	seq.s32 @!p0 s5, $0x0  }
0x1f: {  	s9 =	smul.u32 $0xF7A, s1;
	s8 =	simm.s32 @!p0 $0x1BF5;
	p2 =	por !p2, p0  }
0x20: {  	[sflag:s8] =	ssyncset.s32 @!p0 $0xFFFFF086;
	s6 =	sadd.s32 @!p0 s3, s7;
	s7 =	simm.s32 @!p0 $0x108  }
0x21: {  	s3 =	sadd.s32 s3, s9;
	s6 =	sadd.s32 @!p0 $0x88, s6;
	s7 =	simm.s32 @p2 $0x1082  }
0x22: {  	[simem:s7], [sflag:s8] =	dma.local @!p0 [hbm:s6], $0xF7A  }
0x23: {  	s9 =	sor.u32 $0xD0000000, s2;
	s6 =	simm.s32 $0x108;
	_ =	swait.ge @!p0 [sflag:s8], $0x0  }
0x24: {  	s3 =	sadd.s32 $0x88, s3;
	s6 =	simm.s32 @!p1 $0x1082;
	[sflag:s4] =	ssyncset.s32 $0xFFFFF086  }
0x25: {  	[simem:s6], [sflag:s4] =	dma.local [hbm:s3], $0xF7A  }
0x26: {  	[smem:$0x3F9E] =	sst s1;
	(tag) =	ssettag s2;
	_ =	strace s9  }
0x27: {  	s1 =	sld [smem:$0x3FAE]  }
0x28: {  	s2 =	sld [smem:$0x3FAF]  }
0x29: {  	s4 =	sld [smem:$0x3FB1]  }
0x2a: {  	p0 =	seq.s32 s5, $0x0;
	s5 =	sld [smem:$0x3FB2]  }
0x2b: {  	s6 =	sld [smem:$0x3FB3]  }
0x2c: {  	s7 =	sld [smem:$0x3FB4]  }
0x2d: {  	s3 =	simm.s32 $0x108;
	s8 =	sld [smem:$0x3FB5]  }
0x2e: {  	s3 =	simm.s32 @!p0 $0x1082;
	s9 =	sld [smem:$0x3FB6]  }
0x2f: {  	lr =	sadd.s32 s0, s3;
	s0 =	sld [smem:$0x3FAD]  }
0x30: {  	s3 =	sld [smem:$0x3FB0]  }
0x31: {  	[smem:$0x3FB9] =	sst s10  }
0x32: {  	s10 =	sld [smem:$0x3FB7];
	_ =	sdelay $0x3  }
0x33: {  	p0 =	seq.s32 s10, $0x1;
	s10 =	sld [smem:$0x3FB9];
	_ =	sdelay $0x3  }
0x34: {  	[smem:$0x3FB9] =	sst s10  }
0x35: {  	s10 =	sld [smem:$0x3FB8];
	_ =	sdelay $0x3  }
0x36: {  	p1 =	seq.s32 s10, $0x1;
	s10 =	sld [smem:$0x3FB9];
	_ =	sdelay $0x3  }
0x37: {  	[smem:$0x3FB9] =	sst s10  }
0x38: {  	s10 =	sld [smem:$0x3FBA]  }
0x39: {  	_ = 	snop;
	(pc) =	sbr.ind lr, $3  }
0x3a: {  	_ = 	snop  }
0x3b: {  	_ = 	snop  }
0x3c: {  	p2 =	seq.s32 s10, $0x1;
	s10 =	sld [smem:$0x3FB9]  }
0x3d: {  	_ =	shalt  }
0x3e: {  	_ =	shalt  }
0x3f: {  	_ =	shalt  }
0x40: {  	_ =	shalt  }
0x41: {  	_ =	shalt  }
0x42: {  	_ =	shalt  }
0x43: {  	_ =	shalt  }
0x44: {  	_ =	shalt  }
0x45: {  	_ =	shalt  }
0x46: {  	_ =	shalt  }
0x47: {  	_ =	shalt  }
0x48: {  	_ =	shalt  }
0x49: {  	_ =	shalt  }
0x4a: {  	_ =	shalt  }
0x4b: {  	_ =	shalt  }
0x4c: {  	_ =	shalt  }
0x4d: {  	_ =	shalt  }
0x4e: {  	_ =	shalt  }
0x4f: {  	_ =	shalt  }
0x50: {  	_ =	shalt  }
0x51: {  	_ =	shalt  }
0x52: {  	_ =	shalt  }
0x53: {  	_ =	shalt  }
0x54: {  	_ =	shalt  }
0x55: {  	_ =	shalt  }
0x56: {  	_ =	shalt  }
0x57: {  	_ =	shalt  }
0x58: {  	_ =	shalt  }
0x59: {  	_ =	shalt  }
0x5a: {  	_ =	shalt  }
0x5b: {  	_ =	shalt  }
0x5c: {  	_ =	shalt  }
0x5d: {  	_ =	shalt  }
0x5e: {  	_ =	shalt  }
0x5f: {  	_ =	shalt  }
0x60: {  	_ =	shalt  }
0x61: {  	_ =	shalt  }
0x62: {  	_ =	shalt  }
0x63: {  	_ =	shalt  }
0x64: {  	_ =	shalt  }
0x65: {  	_ =	shalt  }
0x66: {  	_ =	shalt  }
0x67: {  	_ =	shalt  }
0x68: {  	_ =	shalt  }
0x69: {  	_ =	shalt  }
0x6a: {  	_ =	shalt  }
0x6b: {  	_ =	shalt  }
0x6c: {  	_ =	shalt  }
0x6d: {  	_ =	shalt  }
0x6e: {  	_ =	shalt  }
0x6f: {  	_ =	shalt  }
0x70: {  	_ =	shalt  }
0x71: {  	_ =	shalt  }
0x72: {  	_ =	shalt  }
0x73: {  	_ =	shalt  }
0x74: {  	_ =	shalt  }
0x75: {  	_ =	shalt  }
0x76: {  	_ =	shalt  }
0x77: {  	_ =	shalt  }
0x78: {  	_ =	shalt  }
0x79: {  	_ =	shalt  }
0x7a: {  	_ =	shalt  }
0x7b: {  	_ =	shalt  }
0x7c: {  	_ =	shalt  }
0x7d: {  	_ =	shalt  }
0x7e: {  	_ =	shalt  }
0x7f: {  	_ =	shalt  }
0x80: {  	_ =	shalt  }
0x81: {  	_ =	shalt  }
0x82: {  	_ =	shalt  }
0x83: {  	_ =	shalt  }
0x84: {  	_ =	shalt  }
0x85: {  	_ =	shalt  }
0x86: {  	_ =	shalt  }
0x87: {  	_ =	shalt  }
.Lfunc_end0:
.L_simem_size_0:
called_computation_lowered:
.L_overlay_start_0:
0x88: {  	s2 =	sld [smem:$0x3FD9]  }
0x89: {  	s3 =	sld [smem:$0x3FFE];
	_ =	sdelay $0x1  }
0x8a: {  	s1 =	srdreg.scid  }
0x8b: {  	s0 =	sand.u32 $0x1, s1  }
0x8c: {  	s17 =	sshll.u32 s0, $0xA;
	s2 =	sadd.s32 s3, s2  }
0x8d: {  	s2 =	sadd.s32 s2, s17  }
0x8e: {  	[smem:$0x3FC5] =	sst s2  }
0x8f: {  	_ = 	snop  }
0x90: {  	s2 =	sld [smem:$0x3FD0];
	(tm) =	ssettm $0x1  }
0x91: {  	s18 =	sld [smem:$0x3FFB];
	_ =	sdelay $0x3  }
0x92: {  	_ =	strace s18  }
0x93: {  	s3 =	sld [smem:$0x3FFC];
	_ =	sdelay $0x3  }
0x94: {  	_ =	strace s3  }
0x95: {  	s3 =	sld [smem:$0x3FFD];
	_ =	sdelay $0x3  }
0x96: {  	_ =	strace s3  }
0x97: {  	_ =	strace $0x8FFFFFFF  }
0x98: {  	s19 =	sld [smem:$0x3FDB];
	_ =	sdelay $0x1  }
0x99: {  	s4 =	simm.s32 $_scs_section_size  }
0x9a: {  	s5 =	simm.s32 $_size__tile_overlayer_lowered;
	s6 =	simm.s32 $_tile_overlayer_lowered  }
0x9b: {  	s22 =	simm.s32 $0x1BFF;
	s21 =	sshll.u32 s6, $0x1;
	s3 =	sadd.s32 s4, s19  }
0x9c: {  	s7 =	simm.s32 $0x0;
	s20 =	sshll.u32 s5, $0x1;
	s5 =	sadd.s32 s21, s3  }
0x9d: {  	[timem:s7], [sflag:s22] =	dma.local [hbm:s5], s20  }
0x9e: {  	_ =	swait.ge [sflag:s22], s20  }
0x9f: {  	s4 =	ssub.s32 $0x0, s20;
	[sflag:s22] =	ssyncset.done $0x0  }
0xa0: {  	[sflag:s22] =	ssyncadd.s32 s4;
	_ =	sdelay $0x1  }
0xa1: {  	s23 =	simm.s32 $0x1B8B  }
0xa2: {  	_ =	swait.ge [sflag:s23], $0x1  }
0xa3: {  	[sflag:s23] =	ssyncset.done $0x0  }
0xa4: {  	s25 =	simm.s32 $0x1B8E;
	s24 =	sld [smem:$0x3FFE];
	[sflag:s23] =	ssyncadd.s32 $0xFFFFFFFF  }
0xa5: {  	s26 =	simm.s32 $execute0_lowered;
	[smem:$0x3FD2] =	sst s25  }
0xa6: {  	s5 =	sshll.u32 s26, $0x1;
	_ =	strace $0x80000046;
	[dreg:$0x1] =	wrdreg $0xFFFFFFFF  }
0xa7: {  	s28 =	simm.s32 $_size_execute0_lowered;
	s3 =	sadd.s32 s3, s5;
	[dreg:$0x0] =	wrdreg $0x0  }
0xa8: {  	s5 =	sshll.u32 s28, $0x1;
	[dreg:$0x2] =	wrdreg s3  }
0xa9: {  	[dreg:$0x3] =	wrdreg s5  }
0xaa: {  	[dreg:$0x4] =	wrdreg $0xC0  }
0xab: {  	_ =	task [dreg:s7], $0x5FFFF  }
0xac: {  	[dreg:$0x1] =	wrdreg $0xFFFFFFFF  }
0xad: {  	[dreg:$0x0] =	wrdreg $0x60  }
0xae: {  	[dreg:$0x2] =	wrdreg s24  }
0xaf: {  	[dreg:$0x3] =	wrdreg s2  }
0xb0: {  	[dreg:$0x4] =	wrdreg $0x9  }
0xb1: {  	_ =	task.clear_ibuf [dreg:s7], $0x5FFFF;
	_ =	strace $0x90000046  }
0xb2: {  	s29 =	simm.s32 $0x9;
	_ =	strace $0x80000048  }
0xb3: {  	_ =	swait.ge [sflag:s29], $0x1  }
0xb4: {  	[sflag:s29] =	ssyncadd.s32 $0xFFFFFFFF  }
0xb5: {  	_ =	strace $0x90000048  }
0xb6: {  	_ =	sfence  }
0xb7: {  	s30 =	sld [smem:$0x0];
	_ =	sdelay $0x2  }
0xb8: {  	s31 =	sshll.u32 s1, $0xD;
	s1 =	sshrl.u32 s1, $0x2  }
0xb9: {  	s3 =	sand.u32 $0x4000, s31;
	s1 =	sadd.s32 s1, s30  }
0xba: {  	s0 =	sor.u32 s3, s0;
	s1 =	sshll.u32 s1, $0x11  }
0xbb: {  	s0 =	sor.u32 s1, s0  }
0xbc: {  	s0 =	sadd.s32 $0x8F2B, s0  }
0xbd: {  	[sflag:s0] =	ssyncadd.remote.s32 $0x1  }
0xbe: {  	_ =	sfence.sel $0xFFFF  }
0xbf: {  	[dreg:$0x0] =	wrdreg $0xFFFFFFFF;
	(pc) =	sbr.abs _section_cstart, $3  }
0xc0: {  	[dreg:$0x1] =	wrdreg $0xFFFFFFFF  }
0xc1: {  	_ =	task.clear_ibuf [dreg:s7], $0x2FFFF;
	_ =	strace $0x9FFFFFFF  }
0xc2: {  	(tm) =	ssettm $0x7FFFFFFF  }
0xc3: {  	_ =	shalt  }
tec
execute0_lowered:
.L_overlay_start_1:
0x0: {  	(tag) =	ssettag $0x1  }
0x1: {  	s2 =	stileid.u32  }
0x2: {  	s0 =	srdreg.scid;
	s6 =	rddreg [dreg:$0x0]  }
0x3: {  	s3 =	simm.s32 $0x0;
	s11 =	simm.s32 $0x100;
	s16 =	simm.s32 $0x1  }
0x4: {  	s17 =	simm.s32 $0x11600;
	s18 =	simm.s32 $0x800;
	s19 =	simm.s32 $0x8000  }
0x5: {  	s20 =	simm.s32 $0x15E00;
	s21 =	simm.s32 $0x2;
	s1 =	sshll.u32 s2, $0x1  }
0x6: {  	s0 =	sand.u32 $0x1, s0;
	s5 =	sshrl.u32 s2, $0x3;
	s1 =	sand.u32 $0xE, s1  }
0x7: {  	v0 =	vlaneseq.u32;
	s22 =	simm.s32 $0x4;
	s4 =	smul.u32 $0x64000, s5;
	s1 =	sor.u32 s0, s1  }
0x8: {  	s23 =	simm.s32 $0x19E00;
	v0 =	vmul.u32 $0x48, v0;
	s0 =	ssub.s32 $0x2, s0;
	s7 =	sshll.u32 s1, $0x8  }
0x9: {  	s2 =	rddreg [dreg:$0x1];
	s30 =	sshrl.u32 s0, $0x1;
	s4 =	sor.u32 s4, s7  }
0xa: {  	[smem:$0x7FF] =	sst s3;
	v1 =	vadd.s32 $0x480, v0;
	v2 =	vadd.s32 $0x900, v0;
	v3 =	vadd.s32 $0xD80, v0;
	s0 =	ssub.s32 s0, s30;
	s4 =	sshrl.u32 s4, $0x3  }
0xb: {  	_ =	strace $0x80000047;
	v4 =	vadd.s32 $0x1200, v0;
	v5 =	vadd.s32 $0x1680, v0;
	v6 =	vadd.s32 $0x1B00, v0;
	s0 =	smax.u32 s0, $0x1;
	s29 =	sadd.s32 s4, s6  }
0xc: {  	v7 =	vadd.s32 $0x1F80, v0;
	v8 =	vadd.s32 $0x2400, v0;
	v9 =	vadd.s32 $0x2880, v0;
	s4 =	sadd.s32 $0x19C00, s6;
	s6 =	sadd.s32 $0x400, s6;
	[dreg:$0x5] =	wrdreg s0  }
0xd: {  	v10 =	vadd.s32 $0x2D00, v0;
	v11 =	vadd.s32 $0x3180, v0;
	v12 =	vadd.s32 $0x3600, v0;
	s8 =	sshll.u32 s1, $0xB;
	[dreg:$0x3] =	wrdreg s6;
	s31 =	sadd.s32 $0xC00, s29  }
0xe: {  	v13 =	vadd.s32 $0x3A80, v0;
	v14 =	vadd.s32 $0x3F00, v0;
	v15 =	vadd.s32 $0x4380, v0;
	s1 =	simm.s32 $0x0;
	s6 =	smul.u32 $0x64, s5;
	[dreg:$0x4] =	wrdreg s31  }
.LBB2_1:
0xf: {  	[dreg:$0x6] =	wrdreg s1  }
0x10: {  	s0 =	rddreg [dreg:$0x3];
	s29 =	simm.s32 $0x5  }
0x11: {  	[tilespmem:s3], [sflag:$0x5] =	stream.linear.gather [hbm4b:s0+s3], $0x3200, $0x38;
	[tilespmem:$0x1DE00] =	vst v63  }
0x12: {  	_ =	swait.ge [sflag:s29], $0x3200  }
0x13: {  	s5 =	simm.s32 $0x1000;
	[sflag:s29] =	ssyncset.done $0x0  }
0x14: {  	s7 =	simm.s32 $0x3200;
	s30 =	rddreg [dreg:$0x4];
	[sflag:s29] =	ssyncadd.s32 $0xFFFFCE00  }
0x15: {  	[tilespmem:s7], [sflag:$0x5] =	stream.strided.gather [hbm4b:s30+s11], $0x6400, s5, s11, $0x38;
	[tilespmem:$0x1DE00] =	vst v63  }
0x16: {  	_ =	swait.ge [sflag:s29], $0x6400  }
0x17: {  	[sflag:s29] =	ssyncset.done $0x0  }
0x18: {  	s31 =	simm.s32 $0x9600;
	s26 =	simm.s32 $0x0;
	[sflag:s29] =	ssyncadd.s32 $0xFFFF9C00  }
0x19: {  	[tilespmem:s31], [sflag:$0x1] =	stream.indirect.gather [hbm4b:s4+s11], $0x40, s7, s11, $0xb8;
	[tilespmem:$0x1DE00] =	vst v63  }
.LBB2_2:
0x1a: {  	s28 =	sshllo.u32 s26, $0x1  }
0x1b: {  	s0 =	sshll.u32 s28, $0x8  }
0x1c: {  	s0 =	sand.u32 $0x3FFFFF00, s0  }
0x1d: {  	s1 =	simm.s32 $0xD600;
	s0 =	sadd.s32 $0x3200, s0  }
0x1e: {  	[tilespmem:s1], [sflag:$0x2] =	stream.indirect.gather [hbm4b:s4+s11], $0x40, s0, s11, $0xb8;
	[tilespmem:$0x1DE00] =	vst v63  }
0x1f: {  	_ =	swait.ge [sflag:s16], $0x4000  }
0x20: {  	p0 =	sne.s32 s26, $0x0;
	[sflag:s16] =	ssyncset.done $0x0  }
0x21: {  	s1 =	simm.s32 @p0 $0x3;
	[sflag:s16] =	ssyncadd.s32 $0xFFFFC000  }
0x22: {  	_ =	swait.ge @p0 [sflag:s1], $0x4000  }
0x23: {  	[sflag:s1] =	ssyncset.done @p0 $0x0  }
0x24: {  	s9 =	simm.s32 $0x9680;
	[sflag:s1] =	ssyncadd.s32 @p0 $0xFFFFC000  }
0x25: {  	v17 =	vld [tilespmem:s9+$0xFFFFFFC0]  }
0x26: {  	v16 =	vld [tilespmem:s9+$0x40]  }
0x27: {  	v18 =	vld [tilespmem:s9+$0x0];
	_ =	sdelay $0x1  }
0x28: {  	s1 =	simm.s32 $0x11690  }
0x29: {  	v19 =	vld [tilespmem:s9+$0xFFFFFF80];
	[tilespmem:s1+$0xFFFFFFB8] =	vst v17  }
0x2a: {  	[tilespmem:s1+$0x48] =	vst v16;
	v17 =	vld [tilespmem:s9+$0xFFFFFFD0]  }
0x2b: {  	[tilespmem:s1+$0x0] =	vst v18;
	v16 =	vld [tilespmem:s9+$0x50]  }
0x2c: {  	v18 =	vld [tilespmem:s9+$0x10]  }
0x2d: {  	s5 =	simm.s32 $0x9780  }
0x2e: {  	v20 =	vld [tilespmem:s5+$0x40];
	[tilespmem:s1+$0xFFFFFF70] =	vst v19  }
0x2f: {  	v19 =	vld [tilespmem:s9+$0xFFFFFF90];
	[tilespmem:s1+$0xFFFFFFC8] =	vst v17  }
0x30: {  	[tilespmem:s1+$0x58] =	vst v16;
	v17 =	vld [tilespmem:s9+$0xFFFFFFE0]  }
0x31: {  	[tilespmem:s1+$0x10] =	vst v18;
	v16 =	vld [tilespmem:s9+$0x60]  }
0x32: {  	s7 =	simm.s32 $0x117B0;
	v18 =	vld [tilespmem:s9+$0x20]  }
0x33: {  	v21 =	vld [tilespmem:s5+$0xFFFFFFC0];
	[tilespmem:s7+$0x48] =	vst v20  }
0x34: {  	v20 =	vld [tilespmem:s5+$0x50];
	[tilespmem:s1+$0xFFFFFF80] =	vst v19  }
0x35: {  	[tilespmem:s1+$0xFFFFFFD8] =	vst v17;
	v17 =	vld [tilespmem:s5+$0x0]  }
0x36: {  	v19 =	vld [tilespmem:s5+$0xFFFFFF80];
	[tilespmem:s1+$0x68] =	vst v16  }
0x37: {  	[tilespmem:s1+$0x20] =	vst v18;
	v18 =	vld [tilespmem:s9+$0xFFFFFFA0]  }
0x38: {  	[tilespmem:s7+$0xFFFFFFB8] =	vst v21;
	v16 =	vld [tilespmem:s9+$0x70]  }
0x39: {  	v21 =	vld [tilespmem:s5+$0xFFFFFFD0];
	[tilespmem:s7+$0x58] =	vst v20  }
0x3a: {  	[tilespmem:s7+$0x0] =	vst v17;
	v17 =	vld [tilespmem:s9+$0xFFFFFFF0]  }
0x3b: {  	[tilespmem:s7+$0xFFFFFF70] =	vst v19;
	v22 =	vld [tilespmem:s5+$0x10]  }
0x3c: {  	v23 =	vld [tilespmem:s5+$0xFFFFFF90];
	[tilespmem:s1+$0xFFFFFF90] =	vst v18  }
0x3d: {  	[tilespmem:s1+$0x78] =	vst v16;
	v16 =	vld [tilespmem:s9+$0xFFFFFFB0]  }
0x3e: {  	[tilespmem:s7+$0xFFFFFFC8] =	vst v21;
	v18 =	vld [tilespmem:s5+$0x60]  }
0x3f: {  	v19 =	vld [tilespmem:s5+$0xFFFFFFE0];
	[tilespmem:s1+$0xFFFFFFE8] =	vst v17  }
0x40: {  	v17 =	vld [tilespmem:s9+$0x30];
	[tilespmem:s7+$0x10] =	vst v22  }
0x41: {  	s10 =	simm.s32 $0x9880;
	s0 =	sshll.u32 s26, $0x1;
	[tilespmem:s7+$0xFFFFFF80] =	vst v23;
	s9 =	simm.s32 $0x4;
	v20 =	vld [tilespmem:s5+$0x20]  }
.LBB2_3:
0x42: {  	v21 =	vld [tilespmem:s10+$0x40];
	s9 =	sadd.s32 $0x4, s9;
	[tilespmem:s1+$0xFFFFFFA0] =	vst v16  }
0x43: {  	v16 =	vld [tilespmem:s10+$0xFFFFFFC0];
	p1 =	slt.u32 s9, $0xFC;
	[tilespmem:s7+$0x68] =	vst v18  }
0x44: {  	[tilespmem:s7+$0xFFFFFFD8] =	vst v19;
	v18 =	vld [tilespmem:s5+$0x70]  }
0x45: {  	v19 =	vld [tilespmem:s10+$0x0];
	[tilespmem:s1+$0x30] =	vst v17;
	s1 =	smov.u32 s7  }
0x46: {  	s7 =	sadd.s32 $0x120, s7;
	v17 =	vld [tilespmem:s10+$0xFFFFFF80];
	[tilespmem:s1+$0x20] =	vst v20  }
0x47: {  	[tilespmem:s7+$0x48] =	vst v21;
	v20 =	vld [tilespmem:s5+$0xFFFFFFA0]  }
0x48: {  	[tilespmem:s7+$0xFFFFFFB8] =	vst v16;
	v16 =	vld [tilespmem:s10+$0x50]  }
0x49: {  	v21 =	vld [tilespmem:s10+$0xFFFFFFD0];
	[tilespmem:s1+$0x78] =	vst v18  }
0x4a: {  	[tilespmem:s7+$0x0] =	vst v19;
	v22 =	vld [tilespmem:s5+$0xFFFFFFF0]  }
0x4b: {  	[tilespmem:s7+$0xFFFFFF70] =	vst v17;
	v17 =	vld [tilespmem:s10+$0x10]  }
0x4c: {  	v23 =	vld [tilespmem:s10+$0xFFFFFF90];
	[tilespmem:s1+$0xFFFFFF90] =	vst v20  }
.Ltmp0:
0x4d: {  	[tilespmem:s7+$0x58] =	vst v16;
	v16 =	vld [tilespmem:s5+$0xFFFFFFB0];
	(pc) =	sbr.rel @p1 .LBB2_3-.Ltmp0, $4  }
0x4e: {  	[tilespmem:s7+$0xFFFFFFC8] =	vst v21;
	v18 =	vld [tilespmem:s10+$0x60]  }
0x4f: {  	v19 =	vld [tilespmem:s10+$0xFFFFFFE0];
	[tilespmem:s1+$0xFFFFFFE8] =	vst v22  }
0x50: {  	[tilespmem:s7+$0x10] =	vst v17;
	v17 =	vld [tilespmem:s5+$0x30];
	s5 =	smov.u32 s10  }
0x51: {  	s10 =	sadd.s32 $0x100, s10;
	[tilespmem:s7+$0xFFFFFF80] =	vst v23;
	v20 =	vld [tilespmem:s5+$0x20]  }
0x52: {  	_ =	sdelay $0x3  }
0x53: {  	[tilespmem:s7+$0x20] =	vst v20  }
0x54: {  	[tilespmem:s1+$0xFFFFFFA0] =	vst v16;
	v16 =	vld [tilespmem:s5+$0x30];
	_ =	sdelay $0x1  }
0x55: {  	v21 =	vld [tilespmem:s5+$0xFFFFFFA0]  }
0x56: {  	[tilespmem:s7+$0x68] =	vst v18  }
0x57: {  	s29 =	sadd.s32 s6, s0;
	v18 =	vld [tilespmem:s5+$0x70]  }
0x58: {  	[tilespmem:s7+$0x30] =	vst v16;
	v16 =	vmov s29  }
0x59: {  	s14 =	simm.s32 $0x1;
	[tilespmem:s7+$0xFFFFFFD8] =	vst v19;
	v16 =	vand.u32 $0xFE, v16  }
0x5a: {  	s13 =	simm.s32 $0x0;
	v19 =	vld [tilespmem:s5+$0xFFFFFFF0];
	[tilespmem:s7+$0xFFFFFF90] =	vst v21;
	v33 =	vbroadcast v16, $0x0;
	v16 =	vmov s14  }
0x5b: {  	[tilespmem:s1+$0x30] =	vst v17;
	v17 =	vmov s13;
	v20 =	vld [tilespmem:s5+$0xFFFFFFB0];
	v27 =	vand.u32 $0x3F, v16;
	v16 =	vmul.u32 $0xC8, v16  }
0x5c: {  	v21 =	vand.u32 $0x3E, v17;
	v17 =	vmul.u32 $0xC8, v17;
	[tilespmem:s7+$0x78] =	vst v18;
	v18 =	vadd.s32 v0, v27  }
0x5d: {  	v16 =	vadd.s32 v33, v16  }
0x5e: {  	v17 =	vadd.s32 v33, v17  }
0x5f: {  	[tilespmem:s7+$0xFFFFFFE8] =	vst v19;
	v19 =	vadd.s32 v0, v21  }
0x60: {  	[tilespmem:s7+$0xFFFFFFA0] =	vst v20  }
0x61: {  	v18 =	vld.idx.msk [tilespmem:v18+s17+$0x0], $0xffff  }
0x62: {  	v26 =	vld.idx.msk [tilespmem:v16+s3+$0x0], $0xffff  }
0x63: {  	v17 =	vld.idx.msk [tilespmem:v17+s3+$0x0], $0xffff  }
0x64: {  	v16 =	vld.idx.msk [tilespmem:v19+s17+$0x0], $0xffff  }
0x65: {  	v19 =	vadd.s32 v1, v27  }
0x66: {  	s12 =	simm.s32 $0x80;
	s1 =	sand.u32 $0x3800, s13  }
0x67: {  	s0 =	sand.u32 $0x380, s12;
	s1 =	sadd.s32 $0x15E00, s1;
	v20 =	vadd.s32 v1, v21;
	v18 =	vadd.f32 v18, v26  }
0x68: {  	s15 =	simm.s32 $0x0;
	s13 =	sadd.s32 s0, s1  }
0x69: {  	s24 =	sand.u32 $0x300, s15;
	v16 =	vadd.f32 v16, v17;
	[tilespmem:s13+$0x0] =	vst v18  }
0x6a: {  	s31 =	sadd.s32 s24, s1;
	v18 =	vld.idx.msk [tilespmem:v19+s17+$0x0], $0xffff  }
0x6b: {  	[tilespmem:s31+$0x0] =	vst v16  }
0x6c: {  	v16 =	vld.idx.msk [tilespmem:v20+s17+$0x0], $0xffff  }
0x6d: {  	v19 =	vadd.s32 v2, v27;
	_ =	sdelay $0x1  }
0x6e: {  	v20 =	vadd.s32 v2, v21;
	v18 =	vadd.f32 v18, v26;
	_ =	sdelay $0x1  }
0x6f: {  	v16 =	vadd.f32 v16, v17;
	[tilespmem:s13+$0x10] =	vst v18  }
0x70: {  	v18 =	vld.idx.msk [tilespmem:v19+s17+$0x0], $0xffff  }
0x71: {  	[tilespmem:s31+$0x10] =	vst v16  }
0x72: {  	v16 =	vld.idx.msk [tilespmem:v20+s17+$0x0], $0xffff  }
0x73: {  	s25 =	simm.s32 $0x2;
	v22 =	vadd.s32 v3, v27  }
0x74: {  	v23 =	vmov s25;
	s1 =	simm.s32 $0x3  }
0x75: {  	v24 =	vadd.s32 v3, v21;
	v28 =	vmov s1;
	v18 =	vadd.f32 v18, v26  }
0x76: {  	v19 =	vand.u32 $0x3E, v23;
	v20 =	vand.u32 $0x3F, v28  }
0x77: {  	v25 =	vadd.s32 v0, v19;
	v16 =	vadd.f32 v16, v17;
	[tilespmem:s13+$0x20] =	vst v18;
	v18 =	vmul.u32 $0xC8, v28  }
0x78: {  	v23 =	vmul.u32 $0xC8, v23;
	v28 =	vadd.s32 v0, v20;
	v22 =	vld.idx.msk [tilespmem:v22+s17+$0x0], $0xffff  }
0x79: {  	[tilespmem:s31+$0x20] =	vst v16;
	v16 =	vadd.s32 v33, v18  }
0x7a: {  	v23 =	vadd.s32 v33, v23;
	v24 =	vld.idx.msk [tilespmem:v24+s17+$0x0], $0xffff  }
0x7b: {  	v29 =	vadd.s32 v4, v27  }
0x7c: {  	v25 =	vld.idx.msk [tilespmem:v25+s17+$0x0], $0xffff  }
0x7d: {  	v30 =	vadd.s32 v4, v21;
	v28 =	vld.idx.msk [tilespmem:v28+s17+$0x0], $0xffff;
	v22 =	vadd.f32 v22, v26  }
0x7e: {  	v18 =	vld.idx.msk [tilespmem:v16+s3+$0x0], $0xffff  }
0x7f: {  	v16 =	vld.idx.msk [tilespmem:v23+s3+$0x0], $0xffff;
	v23 =	vadd.f32 v24, v17;
	[tilespmem:s13+$0x30] =	vst v22  }
0x80: {  	v22 =	vld.idx.msk [tilespmem:v29+s17+$0x0], $0xffff  }
0x81: {  	s5 =	simm.s32 $0x200;
	[tilespmem:s31+$0x30] =	vst v23;
	v23 =	vadd.s32 v1, v20  }
0x82: {  	s0 =	sand.u32 $0x3800, s5;
	s7 =	simm.s32 $0x180;
	v29 =	vadd.s32 v1, v19;
	v24 =	vld.idx.msk [tilespmem:v30+s17+$0x0], $0xffff  }
0x83: {  	s9 =	simm.s32 $0x100;
	s0 =	sadd.s32 $0x15E00, s0;
	s1 =	sand.u32 $0x380, s7;
	v30 =	vadd.s32 v5, v27;
	v28 =	vadd.f32 v28, v18  }
0x84: {  	s5 =	sand.u32 $0x300, s9;
	s1 =	sadd.s32 s1, s0;
	v25 =	vadd.f32 v25, v16  }
0x85: {  	v31 =	vadd.s32 v5, v21;
	s30 =	sadd.s32 s5, s0;
	[tilespmem:s1+$0x0] =	vst v28;
	v22 =	vadd.f32 v22, v26  }
0x86: {  	[tilespmem:s30+$0x0] =	vst v25;
	v23 =	vld.idx.msk [tilespmem:v23+s17+$0x0], $0xffff  }
0x87: {  	v24 =	vadd.f32 v24, v17;
	v25 =	vld.idx.msk [tilespmem:v29+s17+$0x0], $0xffff;
	[tilespmem:s13+$0x40] =	vst v22  }
0x88: {  	v22 =	vld.idx.msk [tilespmem:v30+s17+$0x0], $0xffff  }
0x89: {  	[tilespmem:s31+$0x40] =	vst v24;
	v24 =	vadd.s32 v2, v20  }
0x8a: {  	v29 =	vadd.s32 v2, v19;
	v28 =	vld.idx.msk [tilespmem:v31+s17+$0x0], $0xffff  }
0x8b: {  	v30 =	vadd.s32 v6, v27;
	v23 =	vadd.f32 v23, v18  }
0x8c: {  	v25 =	vadd.f32 v25, v16  }
0x8d: {  	v31 =	vadd.s32 v6, v21;
	[tilespmem:s1+$0x10] =	vst v23;
	v22 =	vadd.f32 v22, v26  }
0x8e: {  	[tilespmem:s30+$0x10] =	vst v25;
	v23 =	vld.idx.msk [tilespmem:v24+s17+$0x0], $0xffff  }
0x8f: {  	v24 =	vadd.f32 v28, v17;
	v25 =	vld.idx.msk [tilespmem:v29+s17+$0x0], $0xffff;
	[tilespmem:s13+$0x50] =	vst v22  }
0x90: {  	v28 =	vld.idx.msk [tilespmem:v30+s17+$0x0], $0xffff  }
0x91: {  	s10 =	simm.s32 $0x4;
	s12 =	simm.s32 $0x5;
	[tilespmem:s31+$0x50] =	vst v24;
	v24 =	vadd.s32 v3, v20  }
0x92: {  	v35 =	vmov s12;
	v29 =	vmov s10;
	v30 =	vld.idx.msk [tilespmem:v31+s17+$0x0], $0xffff;
	v31 =	vadd.s32 v3, v19  }
0x93: {  	v34 =	vadd.s32 v7, v27;
	v22 =	vand.u32 $0x3E, v29;
	v23 =	vadd.f32 v23, v18  }
0x94: {  	v37 =	vadd.s32 v7, v21;
	v32 =	vadd.s32 v0, v22;
	v36 =	vadd.f32 v25, v16  }
0x95: {  	v25 =	vand.u32 $0x3F, v35;
	[tilespmem:s1+$0x20] =	vst v23;
	v23 =	vadd.f32 v28, v26;
	v28 =	vmul.u32 $0xC8, v35  }
0x96: {  	v29 =	vmul.u32 $0xC8, v29;
	v58 =	vadd.s32 v0, v25;
	[tilespmem:s30+$0x20] =	vst v36;
	v24 =	vld.idx.msk [tilespmem:v24+s17+$0x0], $0xffff  }
0x97: {  	v30 =	vadd.f32 v30, v17;
	v31 =	vld.idx.msk [tilespmem:v31+s17+$0x0], $0xffff;
	[tilespmem:s13+$0x60] =	vst v23;
	v23 =	vadd.s32 v33, v28  }
0x98: {  	v28 =	vadd.s32 v33, v29;
	v29 =	vld.idx.msk [tilespmem:v34+s17+$0x0], $0xffff  }
0x99: {  	v32 =	vld.idx.msk [tilespmem:v32+s17+$0x0], $0xffff;
	[tilespmem:s31+$0x60] =	vst v30;
	v30 =	vadd.s32 v4, v20  }
0x9a: {  	v60 =	vadd.s32 v4, v19;
	v59 =	vld.idx.msk [tilespmem:v37+s17+$0x0], $0xffff  }
0x9b: {  	v38 =	vadd.s32 v8, v27;
	v35 =	vld.idx.msk [tilespmem:v58+s17+$0x0], $0xffff;
	v61 =	vadd.f32 v24, v18  }
0x9c: {  	v31 =	vadd.f32 v31, v16;
	v24 =	vld.idx.msk [tilespmem:v23+s3+$0x0], $0xffff  }
0x9d: {  	v23 =	vld.idx.msk [tilespmem:v28+s3+$0x0], $0xffff;
	[tilespmem:s1+$0x30] =	vst v61;
	v29 =	vadd.f32 v29, v26  }
0x9e: {  	v28 =	vadd.s32 v8, v21;
	[tilespmem:s30+$0x30] =	vst v31;
	v30 =	vld.idx.msk [tilespmem:v30+s17+$0x0], $0xffff  }
0x9f: {  	s14 =	simm.s32 $0x400;
	v31 =	vadd.f32 v59, v17;
	v62 =	vld.idx.msk [tilespmem:v60+s17+$0x0], $0xffff;
	[tilespmem:s13+$0x70] =	vst v29;
	v29 =	vadd.s32 v1, v25  }
0xa0: {  	s15 =	simm.s32 $0x280;
	s0 =	sand.u32 $0x3800, s14;
	v40 =	vadd.s32 v1, v22;
	v63 =	vld.idx.msk [tilespmem:v38+s17+$0x0], $0xffff  }
0xa1: {  	s24 =	simm.s32 $0x200;
	s5 =	sand.u32 $0x380, s15;
	s0 =	sadd.s32 $0x15E00, s0;
	v41 =	vadd.s32 v5, v20;
	[tilespmem:s31+$0x70] =	vst v31;
	v31 =	vadd.f32 v35, v24  }
0xa2: {  	s7 =	sand.u32 $0x300, s24;
	s12 =	sadd.s32 s5, s0;
	v42 =	vadd.s32 v5, v19;
	v32 =	vadd.f32 v32, v23  }
0xa3: {  	s0 =	sadd.s32 s7, s0;
	v28 =	vld.idx.msk [tilespmem:v28+s17+$0x0], $0xffff;
	[tilespmem:s12+$0x0] =	vst v31;
	v30 =	vadd.f32 v30, v18  }
0xa4: {  	v31 =	vadd.s32 v9, v27;
	[tilespmem:s0+$0x0] =	vst v32;
	v43 =	vadd.f32 v62, v16;
	v29 =	vld.idx.msk [tilespmem:v29+s17+$0x0], $0xffff  }
0xa5: {  	v37 =	vld.idx.msk [tilespmem:v40+s17+$0x0], $0xffff;
	[tilespmem:s1+$0x40] =	vst v30;
	v30 =	vadd.f32 v63, v26  }
0xa6: {  	v44 =	vadd.s32 v9, v21;
	[tilespmem:s30+$0x40] =	vst v43;
	v45 =	vld.idx.msk [tilespmem:v41+s17+$0x0], $0xffff  }
0xa7: {  	v46 =	vld.idx.msk [tilespmem:v42+s17+$0x0], $0xffff;
	[tilespmem:s13+$0x400] =	vst v30;
	v30 =	vadd.s32 v2, v25  }
0xa8: {  	s25 =	simm.s32 $0x6;
	v47 =	vadd.s32 v2, v22;
	v28 =	vadd.f32 v28, v17  }
0xa9: {  	v39 =	vmov s25;
	v48 =	vadd.s32 v6, v20;
	v31 =	vld.idx.msk [tilespmem:v31+s17+$0x0], $0xffff;
	v29 =	vadd.f32 v29, v24  }
0xaa: {  	v40 =	vadd.s32 v6, v19;
	[tilespmem:s31+$0x400] =	vst v28;
	v28 =	vand.u32 $0x3E, v39;
	v37 =	vadd.f32 v37, v23  }
0xab: {  	v50 =	vmul.u32 $0xC8, v39;
	v34 =	vld.idx.msk [tilespmem:v44+s17+$0x0], $0xffff;
	v41 =	vadd.s32 v0, v28;
	[tilespmem:s12+$0x10] =	vst v29;
	v29 =	vadd.f32 v45, v18  }
0xac: {  	v49 =	vadd.s32 v10, v27;
	[tilespmem:s0+$0x10] =	vst v37;
	v35 =	vadd.f32 v46, v16;
	v30 =	vld.idx.msk [tilespmem:v30+s17+$0x0], $0xffff  }
0xad: {  	v37 =	vadd.s32 v33, v50;
	v36 =	vld.idx.msk [tilespmem:v47+s17+$0x0], $0xffff;
	[tilespmem:s1+$0x50] =	vst v29  }
0xae: {  	v51 =	vadd.s32 v10, v21;
	v29 =	vadd.f32 v31, v26;
	[tilespmem:s30+$0x50] =	vst v35;
	v52 =	vld.idx.msk [tilespmem:v48+s17+$0x0], $0xffff  }
0xaf: {  	v54 =	vadd.s32 v3, v25;
	v53 =	vld.idx.msk [tilespmem:v40+s17+$0x0], $0xffff  }
0xb0: {  	s7 =	simm.s32 $0x7;
	v55 =	vadd.s32 v3, v22;
	v31 =	vadd.f32 v34, v17;
	v41 =	vld.idx.msk [tilespmem:v41+s17+$0x0], $0xffff;
	[tilespmem:s13+$0x410] =	vst v29  }
0xb1: {  	v43 =	vmov s7;
	v42 =	vadd.s32 v7, v20;
	v32 =	vld.idx.msk [tilespmem:v49+s17+$0x0], $0xffff;
	v30 =	vadd.f32 v30, v24  }
0xb2: {  	v44 =	vadd.s32 v7, v19;
	[tilespmem:s31+$0x410] =	vst v31;
	v31 =	vand.u32 $0x3F, v43;
	v29 =	vld.idx.msk [tilespmem:v37+s3+$0x0], $0xffff;
	v36 =	vadd.f32 v36, v23  }
0xb3: {  	v57 =	vmul.u32 $0xC8, v43;
	v39 =	vld.idx.msk [tilespmem:v51+s17+$0x0], $0xffff;
	v58 =	vadd.s32 v0, v31;
	[tilespmem:s12+$0x20] =	vst v30;
	v30 =	vadd.f32 v52, v18  }
0xb4: {  	v56 =	vadd.s32 v11, v27;
	[tilespmem:s0+$0x20] =	vst v36;
	v34 =	vadd.f32 v53, v16;
	v59 =	vld.idx.msk [tilespmem:v54+s17+$0x0], $0xffff  }
0xb5: {  	v61 =	vadd.s32 v33, v57;
	v60 =	vld.idx.msk [tilespmem:v55+s17+$0x0], $0xffff;
	[tilespmem:s1+$0x60] =	vst v30  }
0xb6: {  	v63 =	vadd.s32 v11, v21;
	v30 =	vadd.f32 v32, v26;
	[tilespmem:s30+$0x60] =	vst v34;
	v62 =	vld.idx.msk [tilespmem:v42+s17+$0x0], $0xffff  }
0xb7: {  	v49 =	vadd.s32 v4, v25;
	v48 =	vld.idx.msk [tilespmem:v44+s17+$0x0], $0xffff  }
0xb8: {  	s9 =	simm.s32 $0x8;
	v50 =	vadd.s32 v4, v22;
	v43 =	vld.idx.msk [tilespmem:v58+s17+$0x0], $0xffff;
	[tilespmem:s13+$0x420] =	vst v30;
	v30 =	vadd.f32 v39, v17  }
0xb9: {  	v46 =	vmov s9;
	v51 =	vadd.s32 v8, v20;
	v35 =	vld.idx.msk [tilespmem:v56+s17+$0x0], $0xffff;
	v36 =	vadd.f32 v59, v24  }
0xba: {  	v45 =	vadd.s32 v8, v19;
	v32 =	vand.u32 $0x3E, v46;
	[tilespmem:s31+$0x420] =	vst v30;
	v30 =	vld.idx.msk [tilespmem:v61+s3+$0x0], $0xffff;
	v38 =	vadd.f32 v60, v23  }
0xbb: {  	v54 =	vadd.s32 v0, v32;
	v37 =	vld.idx.msk [tilespmem:v63+s17+$0x0], $0xffff;
	[tilespmem:s12+$0x30] =	vst v36;
	v34 =	vadd.f32 v62, v18  }
0xbc: {  	v52 =	vadd.s32 v12, v27;
	[tilespmem:s0+$0x30] =	vst v38;
	v40 =	vadd.f32 v48, v16;
	v53 =	vld.idx.msk [tilespmem:v49+s17+$0x0], $0xffff  }
0xbd: {  	s9 =	simm.s32 $0x600;
	v56 =	vadd.s32 v1, v31;
	v39 =	vld.idx.msk [tilespmem:v50+s17+$0x0], $0xffff;
	[tilespmem:s1+$0x70] =	vst v34  }
0xbe: {  	s24 =	simm.s32 $0x380;
	s10 =	sand.u32 $0x3800, s9;
	v58 =	vadd.s32 v1, v28;
	v55 =	vadd.f32 v35, v26;
	[tilespmem:s30+$0x70] =	vst v40;
	v57 =	vld.idx.msk [tilespmem:v51+s17+$0x0], $0xffff  }
0xbf: {  	s14 =	simm.s32 $0x300;
	s15 =	sand.u32 $0x380, s24;
	s10 =	sadd.s32 $0x15E00, s10;
	v60 =	vadd.s32 v5, v25;
	v45 =	vld.idx.msk [tilespmem:v45+s17+$0x0], $0xffff;
	v59 =	vadd.f32 v43, v30  }
0xc0: {  	s7 =	sand.u32 $0x300, s14;
	v47 =	vadd.s32 v5, v22;
	s5 =	sadd.s32 s15, s10;
	v41 =	vadd.f32 v41, v29;
	v36 =	vld.idx.msk [tilespmem:v54+s17+$0x0], $0xffff;
	[tilespmem:s13+$0x430] =	vst v55  }
0xc1: {  	s7 =	sadd.s32 s7, s10;
	v62 =	vadd.s32 v9, v20;
	v48 =	vld.idx.msk [tilespmem:v52+s17+$0x0], $0xffff;
	[tilespmem:s5+$0x0] =	vst v59;
	v61 =	vadd.f32 v53, v24  }
0xc2: {  	[tilespmem:s7+$0x0] =	vst v41;
	v63 =	vadd.s32 v9, v19;
	v35 =	vld.idx.msk [tilespmem:v56+s17+$0x0], $0xffff;
	v39 =	vadd.f32 v39, v23  }
0xc3: {  	v54 =	vadd.s32 v12, v21;
	v49 =	vld.idx.msk [tilespmem:v58+s17+$0x0], $0xffff;
	[tilespmem:s12+$0x40] =	vst v61;
	v50 =	vadd.f32 v57, v18  }
0xc4: {  	v51 =	vadd.s32 v13, v27;
	[tilespmem:s0+$0x40] =	vst v39;
	v53 =	vadd.f32 v45, v16;
	v52 =	vld.idx.msk [tilespmem:v60+s17+$0x0], $0xffff  }
0xc5: {  	v58 =	vadd.s32 v2, v31;
	v37 =	vadd.f32 v37, v17;
	v55 =	vld.idx.msk [tilespmem:v47+s17+$0x0], $0xffff;
	[tilespmem:s1+$0x400] =	vst v50  }
0xc6: {  	v59 =	vadd.s32 v2, v28;
	v57 =	vadd.f32 v48, v26;
	[tilespmem:s30+$0x400] =	vst v53;
	v38 =	vld.idx.msk [tilespmem:v62+s17+$0x0], $0xffff  }
0xc7: {  	[tilespmem:s31+$0x430] =	vst v37;
	v61 =	vadd.s32 v6, v25;
	v41 =	vld.idx.msk [tilespmem:v63+s17+$0x0], $0xffff;
	v60 =	vadd.f32 v35, v30  }
0xc8: {  	v44 =	vld.idx.msk [tilespmem:v54+s17+$0x0], $0xffff;
	v62 =	vadd.f32 v49, v29;
	v63 =	vadd.s32 v6, v22;
	[tilespmem:s13+$0x440] =	vst v57  }
0xc9: {  	v57 =	vadd.s32 v10, v20;
	v37 =	vld.idx.msk [tilespmem:v51+s17+$0x0], $0xffff;
	[tilespmem:s5+$0x10] =	vst v60;
	v56 =	vadd.f32 v52, v24  }
0xca: {  	v49 =	vadd.s32 v10, v19;
	[tilespmem:s7+$0x10] =	vst v62;
	v47 =	vld.idx.msk [tilespmem:v58+s17+$0x0], $0xffff;
	v58 =	vadd.f32 v55, v23  }
0xcb: {  	v60 =	vmul.u32 $0xC8, v46;
	v51 =	vld.idx.msk [tilespmem:v59+s17+$0x0], $0xffff;
	v52 =	vadd.s32 v13, v21;
	[tilespmem:s12+$0x50] =	vst v56;
	v59 =	vadd.f32 v38, v18  }
0xcc: {  	v50 =	vadd.s32 v14, v27;
	[tilespmem:s0+$0x50] =	vst v58;
	v42 =	vld.idx.msk [tilespmem:v61+s17+$0x0], $0xffff;
	v61 =	vadd.f32 v41, v16  }
0xcd: {  	v48 =	vadd.s32 v33, v60;
	v41 =	vld.idx.msk [tilespmem:v63+s17+$0x0], $0xffff;
	v63 =	vadd.f32 v44, v17;
	[tilespmem:s1+$0x410] =	vst v59  }
0xce: {  	v45 =	vadd.s32 v3, v31;
	v62 =	vadd.f32 v37, v26;
	[tilespmem:s30+$0x410] =	vst v61;
	v40 =	vld.idx.msk [tilespmem:v57+s17+$0x0], $0xffff  }
0xcf: {  	v46 =	vadd.s32 v3, v28;
	[tilespmem:s31+$0x440] =	vst v63;
	v38 =	vld.idx.msk [tilespmem:v49+s17+$0x0], $0xffff  }
0xd0: {  	s25 =	simm.s32 $0x9;
	v43 =	vadd.s32 v7, v25;
	v47 =	vadd.f32 v47, v30;
	[tilespmem:s13+$0x450] =	vst v62;
	v37 =	vld.idx.msk [tilespmem:v52+s17+$0x0], $0xffff  }
0xd1: {  	s10 =	simm.s32 $0xA;
	v44 =	vadd.s32 v7, v22;
	v49 =	vadd.f32 v51, v29;
	v39 =	vld.idx.msk [tilespmem:v50+s17+$0x0], $0xffff;
	v50 =	vmov s25  }
.LBB2_5:
0xd2: {  	p1 =	slt.u32 s10, $0x3E;
	v35 =	vld.idx.msk [tilespmem:v48+s3+$0x0], $0xffff;
	v48 =	vand.u32 $0x3F, v50;
	[tilespmem:s5+$0x20] =	vst v47;
	v51 =	vadd.f32 v42, v24;
	v42 =	vadd.s32 v11, v20;
	s25 =	smov.u32 s0;
	s0 =	smov.u32 s7  }
0xd3: {  	v47 =	vmul.u32 $0xC8, v50;
	v41 =	vadd.f32 v41, v23;
	v50 =	vadd.s32 v0, v48;
	[tilespmem:s0+$0x20] =	vst v49;
	v45 =	vld.idx.msk [tilespmem:v45+s17+$0x0], $0xffff  }
0xd4: {  	v34 =	vmov v29;
	v40 =	vadd.f32 v40, v18;
	v49 =	vadd.s32 v15, v27;
	v46 =	vld.idx.msk [tilespmem:v46+s17+$0x0], $0xffff;
	[tilespmem:s12+$0x60] =	vst v51  }
0xd5: {  	v27 =	vmov v20;
	v47 =	vadd.s32 v33, v47;
	v51 =	vadd.f32 v38, v16;
	[tilespmem:s25+$0x60] =	vst v41;
	v41 =	vld.idx.msk [tilespmem:v43+s17+$0x0], $0xffff  }
0xd6: {  	v20 =	vmov v25;
	v43 =	vadd.s32 v11, v19;
	v39 =	vadd.f32 v39, v26;
	v38 =	vld.idx.msk [tilespmem:v44+s17+$0x0], $0xffff;
	[tilespmem:s1+$0x420] =	vst v40  }
0xd7: {  	v25 =	vmov v31;
	v40 =	vadd.s32 v4, v31;
	v37 =	vadd.f32 v37, v17;
	[tilespmem:s30+$0x420] =	vst v51;
	v42 =	vld.idx.msk [tilespmem:v42+s17+$0x0], $0xffff  }
0xd8: {  	v31 =	vmov v48;
	v29 =	vmov v35;
	v44 =	vld.idx.msk [tilespmem:v50+s17+$0x0], $0xffff;
	v50 =	vadd.s32 v4, v28;
	[tilespmem:s13+$0x460] =	vst v39  }
0xd9: {  	v35 =	vadd.f32 v45, v30;
	v39 =	vadd.s32 v8, v20;
	[tilespmem:s31+$0x450] =	vst v37;
	v37 =	vld.idx.msk [tilespmem:v49+s17+$0x0], $0xffff  }
0xda: {  	v46 =	vadd.f32 v46, v34;
	v45 =	vld.idx.msk [tilespmem:v47+s3+$0x0], $0xffff;
	v47 =	vadd.s32 v8, v22  }
0xdb: {  	v48 =	vmov s10;
	[tilespmem:s5+$0x30] =	vst v35;
	v35 =	vadd.f32 v41, v24;
	v41 =	vld.idx.msk [tilespmem:v43+s17+$0x0], $0xffff;
	v43 =	vadd.s32 v12, v27  }
0xdc: {  	v49 =	vand.u32 $0x3E, v48;
	v38 =	vadd.f32 v38, v23;
	[tilespmem:s0+$0x30] =	vst v46;
	v40 =	vld.idx.msk [tilespmem:v40+s17+$0x0], $0xffff;
	v46 =	vadd.s32 v14, v21  }
0xdd: {  	v51 =	vadd.s32 v0, v49;
	v50 =	vld.idx.msk [tilespmem:v50+s17+$0x0], $0xffff;
	[tilespmem:s12+$0x70] =	vst v35;
	v35 =	vadd.f32 v42, v18  }
0xde: {  	s9 =	sadd.s32 $0x200, s9;
	v42 =	vadd.s32 v1, v31;
	[tilespmem:s25+$0x70] =	vst v38;
	v38 =	vld.idx.msk [tilespmem:v39+s17+$0x0], $0xffff  }
0xdf: {  	s24 =	sadd.s32 $0x100, s24;
	s7 =	sand.u32 $0x3800, s9;
	v39 =	vadd.s32 v1, v32;
	v47 =	vld.idx.msk [tilespmem:v47+s17+$0x0], $0xffff;
	[tilespmem:s1+$0x430] =	vst v35;
	v35 =	vadd.f32 v37, v26;
	v26 =	vmov v18  }
0xe0: {  	s14 =	sadd.s32 $0xFFFFFF80, s24;
	s15 =	sand.u32 $0x380, s24;
	s7 =	sadd.s32 $0x15E00, s7;
	v52 =	vadd.s32 v5, v25;
	v37 =	vadd.f32 v44, v45;
	v44 =	vadd.s32 v5, v28;
	v43 =	vld.idx.msk [tilespmem:v43+s17+$0x0], $0xffff  }
0xe1: {  	s14 =	sand.u32 $0x300, s14;
	s15 =	sadd.s32 s15, s7;
	v53 =	vadd.f32 v36, v29;
	v18 =	vmov v24;
	v41 =	vadd.f32 v41, v16;
	v46 =	vld.idx.msk [tilespmem:v46+s17+$0x0], $0xffff;
	[tilespmem:s13+$0x470] =	vst v35;
	s13 =	smov.u32 s1  }
0xe2: {  	s7 =	sadd.s32 s14, s7;
	v24 =	vmov v30;
	v35 =	vadd.f32 v40, v30;
	s1 =	smov.u32 s12;
	s12 =	smov.u32 s5;
	v36 =	vld.idx.msk [tilespmem:v51+s17+$0x0], $0xffff;
	[tilespmem:s15+$0x0] =	vst v37;
	v37 =	vadd.s32 v9, v20  }
0xe3: {  	v30 =	vmov v45;
	s5 =	smov.u32 s15;
	[tilespmem:s7+$0x0] =	vst v53;
	v40 =	vld.idx.msk [tilespmem:v42+s17+$0x0], $0xffff;
	v42 =	vadd.f32 v50, v34;
	v50 =	vadd.s32 v9, v22  }
0xe4: {  	v39 =	vld.idx.msk [tilespmem:v39+s17+$0x0], $0xffff;
	[tilespmem:s12+$0x40] =	vst v35;
	v35 =	vadd.f32 v38, v18;
	v38 =	vadd.s32 v13, v27  }
0xe5: {  	v45 =	vadd.f32 v47, v23;
	v47 =	vadd.s32 v12, v19;
	[tilespmem:s0+$0x40] =	vst v42;
	v42 =	vld.idx.msk [tilespmem:v52+s17+$0x0], $0xffff  }
0xe6: {  	v44 =	vld.idx.msk [tilespmem:v44+s17+$0x0], $0xffff;
	[tilespmem:s1+$0x400] =	vst v35;
	v35 =	vadd.f32 v43, v26;
	v43 =	vadd.s32 v15, v21;
	v21 =	vmov v19  }
0xe7: {  	v51 =	vadd.s32 v2, v31;
	v19 =	vmov v22;
	[tilespmem:s25+$0x400] =	vst v45;
	v37 =	vld.idx.msk [tilespmem:v37+s17+$0x0], $0xffff;
	v45 =	vadd.f32 v46, v17  }
0xe8: {  	v22 =	vmovc v28;
	v28 =	vmov v32;
	v46 =	vadd.s32 v2, v32;
	v32 =	vmov v49;
	v50 =	vld.idx.msk [tilespmem:v50+s17+$0x0], $0xffff;
	[tilespmem:s13+$0x440] =	vst v35  }
0xe9: {  	v35 =	vadd.f32 v40, v30;
	v40 =	vadd.s32 v6, v25;
	[tilespmem:s30+$0x430] =	vst v41;
	v38 =	vld.idx.msk [tilespmem:v38+s17+$0x0], $0xffff  }
0xea: {  	v39 =	vadd.f32 v39, v29;
	v41 =	vadd.s32 v6, v22;
	v47 =	vld.idx.msk [tilespmem:v47+s17+$0x0], $0xffff;
	[tilespmem:s31+$0x460] =	vst v45  }
0xeb: {  	v49 =	vadd.s32 v10, v20;
	[tilespmem:s5+$0x10] =	vst v35;
	v35 =	vadd.f32 v42, v24;
	v43 =	vld.idx.msk [tilespmem:v43+s17+$0x0], $0xffff  }
0xec: {  	v42 =	vadd.f32 v44, v34;
	v44 =	vadd.s32 v10, v19;
	[tilespmem:s7+$0x10] =	vst v39;
	v39 =	vld.idx.msk [tilespmem:v51+s17+$0x0], $0xffff  }
0xed: {  	v45 =	vmul.u32 $0xC8, v48;
	v51 =	vld.idx.msk [tilespmem:v46+s17+$0x0], $0xffff;
	[tilespmem:s12+$0x50] =	vst v35;
	v35 =	vadd.f32 v37, v18;
	v37 =	vadd.s32 v14, v27  }
0xee: {  	v52 =	vadd.s32 v13, v21;
	[tilespmem:s0+$0x50] =	vst v42;
	v42 =	vld.idx.msk [tilespmem:v40+s17+$0x0], $0xffff;
	v40 =	vadd.f32 v50, v23  }
.Ltmp1:
0xef: {  	v48 =	vadd.s32 v33, v45;
	v41 =	vld.idx.msk [tilespmem:v41+s17+$0x0], $0xffff;
	[tilespmem:s1+$0x410] =	vst v35;
	v35 =	vadd.f32 v38, v26;
	(pc) =	sbr.rel @p1 .LBB2_5-.Ltmp1, $4  }
0xf0: {  	v45 =	vadd.s32 v3, v31;
	[tilespmem:s25+$0x410] =	vst v40;
	v40 =	vld.idx.msk [tilespmem:v49+s17+$0x0], $0xffff;
	v49 =	vadd.f32 v47, v16  }
0xf1: {  	v46 =	vadd.s32 v3, v28;
	v38 =	vld.idx.msk [tilespmem:v44+s17+$0x0], $0xffff;
	[tilespmem:s13+$0x450] =	vst v35;
	v35 =	vadd.f32 v43, v17;
	v17 =	vmov v16  }
0xf2: {  	s14 =	sadd.s32 $0x1, s10;
	v47 =	vadd.f32 v39, v30;
	v43 =	vadd.s32 v7, v25;
	v16 =	vmov v23;
	[tilespmem:s30+$0x440] =	vst v49;
	v39 =	vld.idx.msk [tilespmem:v37+s17+$0x0], $0xffff  }
0xf3: {  	s10 =	sadd.s32 $0x2, s10;
	v50 =	vmov s14;
	v44 =	vadd.s32 v7, v22;
	v23 =	vmovc v34;
	v49 =	vadd.f32 v51, v29;
	v37 =	vld.idx.msk [tilespmem:v52+s17+$0x0], $0xffff;
	[tilespmem:s31+$0x470] =	vst v35;
	s31 =	smov.u32 s30;
	s30 =	smov.u32 s25  }
0xf4: {  	v35 =	vand.u32 $0x3F, v50;
	v34 =	vmul.u32 $0xC8, v50  }
0xf5: {  	v57 =	vadd.s32 v0, v35  }
0xf6: {  	v33 =	vadd.s32 v33, v34;
	_ =	sdelay $0x3  }
0xf7: {  	v50 =	vld.idx.msk [tilespmem:v57+s17+$0x0], $0xffff  }
0xf8: {  	v34 =	vld.idx.msk [tilespmem:v33+s3+$0x0], $0xffff  }
0xf9: {  	v33 =	vld.idx.msk [tilespmem:v48+s3+$0x0], $0xffff;
	_ =	sdelay $0x1  }
0xfa: {  	s9 =	sadd.s32 $0x200, s9;
	v58 =	vadd.s32 v1, v35  }
0xfb: {  	v51 =	vadd.s32 v1, v32;
	s10 =	sadd.s32 $0x100, s24;
	s9 =	sand.u32 $0x3800, s9  }
0xfc: {  	s14 =	sadd.s32 $0xFFFFFF80, s10;
	s10 =	sand.u32 $0x380, s10;
	s9 =	sadd.s32 $0x15E00, s9;
	v50 =	vadd.f32 v50, v34  }
0xfd: {  	s14 =	sand.u32 $0x300, s14;
	s25 =	sadd.s32 s10, s9;
	v36 =	vadd.f32 v36, v33  }
0xfe: {  	s9 =	sadd.s32 s14, s9;
	[tilespmem:s25+$0x0] =	vst v50  }
0xff: {  	[tilespmem:s9+$0x0] =	vst v36;
	v59 =	vld.idx.msk [tilespmem:v58+s17+$0x0], $0xffff  }
0x100: {  	v60 =	vld.idx.msk [tilespmem:v51+s17+$0x0], $0xffff;
	_ =	sdelay $0x1  }
0x101: {  	v61 =	vadd.s32 v2, v35  }
0x102: {  	v62 =	vadd.s32 v2, v32  }
0x103: {  	v36 =	vadd.f32 v59, v34  }
0x104: {  	v48 =	vadd.f32 v60, v33  }
0x105: {  	[tilespmem:s25+$0x10] =	vst v36  }
0x106: {  	[tilespmem:s9+$0x10] =	vst v48;
	v36 =	vld.idx.msk [tilespmem:v61+s17+$0x0], $0xffff  }
0x107: {  	v48 =	vld.idx.msk [tilespmem:v62+s17+$0x0], $0xffff;
	_ =	sdelay $0x1  }
0x108: {  	v63 =	vadd.s32 v3, v35  }
0x109: {  	v54 =	vadd.s32 v3, v32  }
0x10a: {  	[tilespmem:s5+$0x20] =	vst v47;
	v36 =	vadd.f32 v36, v34  }
0x10b: {  	[tilespmem:s7+$0x20] =	vst v49;
	v45 =	vld.idx.msk [tilespmem:v45+s17+$0x0], $0xffff;
	v55 =	vadd.f32 v48, v33  }
0x10c: {  	v46 =	vld.idx.msk [tilespmem:v46+s17+$0x0], $0xffff;
	[tilespmem:s25+$0x20] =	vst v36  }
0x10d: {  	[tilespmem:s9+$0x20] =	vst v55;
	v36 =	vld.idx.msk [tilespmem:v63+s17+$0x0], $0xffff  }
0x10e: {  	v56 =	vadd.s32 v4, v31;
	v57 =	vld.idx.msk [tilespmem:v54+s17+$0x0], $0xffff  }
0x10f: {  	v58 =	vadd.s32 v4, v28  }
0x110: {  	v45 =	vadd.f32 v45, v30;
	v59 =	vadd.s32 v4, v35  }
0x111: {  	v46 =	vadd.f32 v46, v29;
	v60 =	vadd.s32 v4, v32  }
0x112: {  	[tilespmem:s5+$0x30] =	vst v45;
	v36 =	vadd.f32 v36, v34  }
0x113: {  	[tilespmem:s7+$0x30] =	vst v46;
	v45 =	vld.idx.msk [tilespmem:v56+s17+$0x0], $0xffff;
	v61 =	vadd.f32 v57, v33  }
0x114: {  	v62 =	vld.idx.msk [tilespmem:v58+s17+$0x0], $0xffff;
	[tilespmem:s25+$0x30] =	vst v36  }
0x115: {  	[tilespmem:s9+$0x30] =	vst v61;
	v36 =	vld.idx.msk [tilespmem:v59+s17+$0x0], $0xffff  }
0x116: {  	v63 =	vadd.s32 v5, v31;
	v54 =	vld.idx.msk [tilespmem:v60+s17+$0x0], $0xffff  }
0x117: {  	v55 =	vadd.s32 v5, v28  }
0x118: {  	v56 =	vadd.s32 v5, v35;
	v45 =	vadd.f32 v45, v30  }
0x119: {  	v47 =	vadd.f32 v62, v29;
	v57 =	vadd.s32 v5, v32  }
0x11a: {  	[tilespmem:s5+$0x40] =	vst v45;
	v36 =	vadd.f32 v36, v34  }
0x11b: {  	[tilespmem:s7+$0x40] =	vst v47;
	v45 =	vld.idx.msk [tilespmem:v63+s17+$0x0], $0xffff;
	v58 =	vadd.f32 v54, v33  }
0x11c: {  	v47 =	vld.idx.msk [tilespmem:v55+s17+$0x0], $0xffff;
	[tilespmem:s25+$0x40] =	vst v36  }
0x11d: {  	[tilespmem:s9+$0x40] =	vst v58;
	v36 =	vld.idx.msk [tilespmem:v56+s17+$0x0], $0xffff  }
0x11e: {  	v59 =	vadd.s32 v6, v31;
	v60 =	vld.idx.msk [tilespmem:v57+s17+$0x0], $0xffff  }
0x11f: {  	v61 =	vadd.s32 v6, v28  }
0x120: {  	v62 =	vadd.s32 v6, v35;
	v45 =	vadd.f32 v45, v30  }
0x121: {  	v63 =	vadd.s32 v6, v32;
	v47 =	vadd.f32 v47, v29  }
0x122: {  	[tilespmem:s5+$0x50] =	vst v45;
	v36 =	vadd.f32 v36, v34  }
0x123: {  	[tilespmem:s7+$0x50] =	vst v47;
	v45 =	vld.idx.msk [tilespmem:v59+s17+$0x0], $0xffff;
	v53 =	vadd.f32 v60, v33  }
0x124: {  	v47 =	vld.idx.msk [tilespmem:v61+s17+$0x0], $0xffff;
	[tilespmem:s25+$0x50] =	vst v36  }
0x125: {  	v42 =	vadd.f32 v42, v24;
	[tilespmem:s9+$0x50] =	vst v53;
	v36 =	vld.idx.msk [tilespmem:v62+s17+$0x0], $0xffff  }
0x126: {  	v41 =	vadd.f32 v41, v23;
	v54 =	vadd.s32 v7, v31;
	v55 =	vld.idx.msk [tilespmem:v63+s17+$0x0], $0xffff  }
0x127: {  	[tilespmem:s12+$0x60] =	vst v42;
	v56 =	vadd.s32 v7, v28  }
0x128: {  	[tilespmem:s0+$0x60] =	vst v41;
	v59 =	vld.idx.msk [tilespmem:v43+s17+$0x0], $0xffff;
	v58 =	vadd.s32 v7, v35;
	v57 =	vadd.f32 v45, v30  }
0x129: {  	v44 =	vld.idx.msk [tilespmem:v44+s17+$0x0], $0xffff;
	v61 =	vadd.s32 v7, v32;
	v60 =	vadd.f32 v47, v29  }
0x12a: {  	[tilespmem:s5+$0x60] =	vst v57;
	v36 =	vadd.f32 v36, v34  }
0x12b: {  	v42 =	vld.idx.msk [tilespmem:v54+s17+$0x0], $0xffff;
	[tilespmem:s7+$0x60] =	vst v60;
	v62 =	vadd.f32 v55, v33  }
0x12c: {  	v63 =	vadd.s32 v8, v25;
	v52 =	vld.idx.msk [tilespmem:v56+s17+$0x0], $0xffff;
	[tilespmem:s25+$0x60] =	vst v36  }
0x12d: {  	v41 =	vadd.f32 v59, v24;
	v54 =	vadd.s32 v8, v22;
	[tilespmem:s9+$0x60] =	vst v62;
	v55 =	vld.idx.msk [tilespmem:v58+s17+$0x0], $0xffff  }
0x12e: {  	v57 =	vadd.f32 v44, v23;
	v56 =	vadd.s32 v8, v31;
	v47 =	vld.idx.msk [tilespmem:v61+s17+$0x0], $0xffff  }
0x12f: {  	[tilespmem:s12+$0x70] =	vst v41;
	v53 =	vadd.f32 v40, v18;
	v58 =	vadd.s32 v8, v28  }
0x130: {  	[tilespmem:s0+$0x70] =	vst v57;
	v60 =	vadd.s32 v8, v35;
	v59 =	vadd.f32 v42, v30  }
0x131: {  	[tilespmem:s1+$0x420] =	vst v53;
	v62 =	vadd.f32 v52, v29;
	v61 =	vld.idx.msk [tilespmem:v63+s17+$0x0], $0xffff;
	v63 =	vadd.s32 v8, v32  }
0x132: {  	v40 =	vld.idx.msk [tilespmem:v54+s17+$0x0], $0xffff;
	[tilespmem:s5+$0x70] =	vst v59;
	v50 =	vadd.f32 v55, v34  }
0x133: {  	v51 =	vadd.s32 v11, v20;
	v45 =	vld.idx.msk [tilespmem:v56+s17+$0x0], $0xffff;
	[tilespmem:s7+$0x70] =	vst v62;
	v52 =	vadd.f32 v47, v33  }
0x134: {  	v38 =	vadd.f32 v38, v16;
	v53 =	vadd.s32 v9, v25;
	v44 =	vld.idx.msk [tilespmem:v58+s17+$0x0], $0xffff;
	[tilespmem:s25+$0x70] =	vst v50  }
0x135: {  	v39 =	vadd.f32 v39, v26;
	v54 =	vadd.s32 v9, v22;
	[tilespmem:s9+$0x70] =	vst v52;
	v42 =	vld.idx.msk [tilespmem:v60+s17+$0x0], $0xffff  }
0x136: {  	[tilespmem:s30+$0x420] =	vst v38;
	v36 =	vadd.f32 v61, v24;
	v55 =	vadd.s32 v9, v31;
	v46 =	vld.idx.msk [tilespmem:v63+s17+$0x0], $0xffff  }
0x137: {  	[tilespmem:s13+$0x460] =	vst v39;
	v57 =	vadd.s32 v9, v28;
	v56 =	vadd.f32 v40, v23  }
0x138: {  	v43 =	vld.idx.msk [tilespmem:v51+s17+$0x0], $0xffff;
	v59 =	vadd.s32 v9, v35;
	v58 =	vadd.f32 v45, v30;
	[tilespmem:s12+$0x400] =	vst v36  }
0x139: {  	[tilespmem:s0+$0x400] =	vst v56;
	v61 =	vadd.s32 v9, v32;
	v60 =	vld.idx.msk [tilespmem:v53+s17+$0x0], $0xffff;
	v44 =	vadd.f32 v44, v29  }
0x13a: {  	v27 =	vadd.s32 v15, v27;
	v41 =	vld.idx.msk [tilespmem:v54+s17+$0x0], $0xffff;
	[tilespmem:s5+$0x400] =	vst v58;
	v62 =	vadd.f32 v42, v34  }
0x13b: {  	v63 =	vadd.s32 v12, v20;
	v38 =	vld.idx.msk [tilespmem:v55+s17+$0x0], $0xffff;
	[tilespmem:s7+$0x400] =	vst v44;
	v48 =	vadd.f32 v46, v33  }
0x13c: {  	v49 =	vadd.s32 v10, v25;
	v37 =	vadd.f32 v37, v17;
	v40 =	vld.idx.msk [tilespmem:v57+s17+$0x0], $0xffff;
	[tilespmem:s25+$0x400] =	vst v62  }
0x13d: {  	v51 =	vadd.s32 v10, v22;
	v50 =	vadd.f32 v43, v18;
	[tilespmem:s9+$0x400] =	vst v48;
	v52 =	vld.idx.msk [tilespmem:v59+s17+$0x0], $0xffff  }
0x13e: {  	[tilespmem:s31+$0x450] =	vst v37;
	v54 =	vadd.s32 v10, v31;
	v53 =	vadd.f32 v60, v24;
	v55 =	vld.idx.msk [tilespmem:v61+s17+$0x0], $0xffff  }
0x13f: {  	v27 =	vld.idx.msk [tilespmem:v27+s17+$0x0], $0xffff;
	v56 =	vadd.f32 v41, v23;
	[tilespmem:s1+$0x430] =	vst v50;
	v57 =	vadd.s32 v10, v28  }
0x140: {  	v42 =	vld.idx.msk [tilespmem:v63+s17+$0x0], $0xffff;
	[tilespmem:s12+$0x410] =	vst v53;
	v58 =	vadd.f32 v38, v30;
	v59 =	vadd.s32 v10, v35  }
0x141: {  	[tilespmem:s0+$0x410] =	vst v56;
	v60 =	vld.idx.msk [tilespmem:v49+s17+$0x0], $0xffff;
	v61 =	vadd.s32 v10, v32;
	v40 =	vadd.f32 v40, v29  }
0x142: {  	v43 =	vld.idx.msk [tilespmem:v51+s17+$0x0], $0xffff;
	v62 =	vadd.s32 v11, v19;
	[tilespmem:s5+$0x410] =	vst v58;
	v63 =	vadd.f32 v52, v34  }
0x143: {  	v48 =	vadd.s32 v14, v21;
	v39 =	vld.idx.msk [tilespmem:v54+s17+$0x0], $0xffff;
	[tilespmem:s7+$0x410] =	vst v40;
	v49 =	vadd.f32 v55, v33  }
0x144: {  	v50 =	vadd.f32 v27, v26;
	v51 =	vadd.s32 v11, v25;
	v41 =	vld.idx.msk [tilespmem:v57+s17+$0x0], $0xffff;
	[tilespmem:s25+$0x410] =	vst v63  }
0x145: {  	v53 =	vadd.s32 v11, v22;
	v52 =	vadd.f32 v42, v18;
	[tilespmem:s9+$0x410] =	vst v49;
	v38 =	vld.idx.msk [tilespmem:v59+s17+$0x0], $0xffff  }
0x146: {  	[tilespmem:s13+$0x470] =	vst v50;
	v54 =	vadd.f32 v60, v24;
	v55 =	vadd.s32 v11, v31;
	v40 =	vld.idx.msk [tilespmem:v61+s17+$0x0], $0xffff  }
0x147: {  	v58 =	vadd.s32 v11, v28;
	v56 =	vld.idx.msk [tilespmem:v62+s17+$0x0], $0xffff;
	v57 =	vadd.f32 v43, v23;
	[tilespmem:s1+$0x440] =	vst v52  }
0x148: {  	v44 =	vld.idx.msk [tilespmem:v48+s17+$0x0], $0xffff;
	v60 =	vadd.s32 v11, v35;
	[tilespmem:s12+$0x420] =	vst v54;
	v59 =	vadd.f32 v39, v30  }
0x149: {  	v62 =	vadd.s32 v11, v32;
	[tilespmem:s0+$0x420] =	vst v57;
	v27 =	vld.idx.msk [tilespmem:v51+s17+$0x0], $0xffff;
	v61 =	vadd.f32 v41, v29  }
0x14a: {  	v63 =	vadd.s32 v13, v20;
	v42 =	vld.idx.msk [tilespmem:v53+s17+$0x0], $0xffff;
	[tilespmem:s5+$0x420] =	vst v59;
	v48 =	vadd.f32 v38, v34  }
0x14b: {  	v49 =	vadd.s32 v12, v19;
	v36 =	vld.idx.msk [tilespmem:v55+s17+$0x0], $0xffff;
	[tilespmem:s7+$0x420] =	vst v61;
	v50 =	vadd.f32 v40, v33  }
0x14c: {  	v52 =	vadd.s32 v12, v25;
	v51 =	vadd.f32 v56, v16;
	v43 =	vld.idx.msk [tilespmem:v58+s17+$0x0], $0xffff;
	[tilespmem:s25+$0x420] =	vst v48  }
0x14d: {  	v54 =	vadd.s32 v12, v22;
	v53 =	vadd.f32 v44, v17;
	[tilespmem:s9+$0x420] =	vst v50;
	v55 =	vld.idx.msk [tilespmem:v60+s17+$0x0], $0xffff  }
0x14e: {  	v56 =	vadd.s32 v12, v31;
	[tilespmem:s30+$0x430] =	vst v51;
	v27 =	vadd.f32 v27, v24;
	v57 =	vld.idx.msk [tilespmem:v62+s17+$0x0], $0xffff  }
0x14f: {  	[tilespmem:s31+$0x460] =	vst v53;
	v58 =	vld.idx.msk [tilespmem:v63+s17+$0x0], $0xffff;
	v59 =	vadd.f32 v42, v23;
	v60 =	vadd.s32 v12, v28  }
0x150: {  	v38 =	vld.idx.msk [tilespmem:v49+s17+$0x0], $0xffff;
	[tilespmem:s12+$0x430] =	vst v27;
	v61 =	vadd.f32 v36, v30;
	v62 =	vadd.s32 v12, v35  }
0x151: {  	[tilespmem:s0+$0x430] =	vst v59;
	v48 =	vadd.s32 v12, v32;
	v45 =	vld.idx.msk [tilespmem:v52+s17+$0x0], $0xffff;
	v63 =	vadd.f32 v43, v29  }
0x152: {  	v49 =	vadd.s32 v15, v21;
	v44 =	vld.idx.msk [tilespmem:v54+s17+$0x0], $0xffff;
	[tilespmem:s5+$0x430] =	vst v61;
	v50 =	vadd.f32 v55, v34  }
0x153: {  	v51 =	vadd.s32 v13, v19;
	v39 =	vld.idx.msk [tilespmem:v56+s17+$0x0], $0xffff;
	[tilespmem:s7+$0x430] =	vst v63;
	v52 =	vadd.f32 v57, v33  }
0x154: {  	v54 =	vadd.s32 v13, v25;
	v53 =	vadd.f32 v58, v18;
	v42 =	vld.idx.msk [tilespmem:v60+s17+$0x0], $0xffff;
	[tilespmem:s25+$0x430] =	vst v50  }
0x155: {  	v56 =	vadd.s32 v13, v22;
	v55 =	vadd.f32 v38, v16;
	[tilespmem:s9+$0x430] =	vst v52;
	v36 =	vld.idx.msk [tilespmem:v62+s17+$0x0], $0xffff  }
0x156: {  	v58 =	vadd.s32 v13, v31;
	[tilespmem:s1+$0x450] =	vst v53;
	v57 =	vadd.f32 v45, v24;
	v43 =	vld.idx.msk [tilespmem:v48+s17+$0x0], $0xffff  }
0x157: {  	v21 =	vld.idx.msk [tilespmem:v49+s17+$0x0], $0xffff;
	v59 =	vadd.f32 v44, v23;
	v60 =	vadd.s32 v13, v28;
	[tilespmem:s30+$0x440] =	vst v55  }
0x158: {  	[tilespmem:s12+$0x440] =	vst v57;
	v37 =	vld.idx.msk [tilespmem:v51+s17+$0x0], $0xffff;
	v61 =	vadd.f32 v39, v30;
	v62 =	vadd.s32 v13, v35  }
0x159: {  	[tilespmem:s0+$0x440] =	vst v59;
	v41 =	vld.idx.msk [tilespmem:v54+s17+$0x0], $0xffff;
	v48 =	vadd.s32 v13, v32;
	v63 =	vadd.f32 v42, v29  }
0x15a: {  	v49 =	vadd.s32 v14, v20;
	v38 =	vld.idx.msk [tilespmem:v56+s17+$0x0], $0xffff;
	[tilespmem:s5+$0x440] =	vst v61;
	v50 =	vadd.f32 v36, v34  }
0x15b: {  	v51 =	vadd.s32 v14, v19;
	v40 =	vld.idx.msk [tilespmem:v58+s17+$0x0], $0xffff;
	[tilespmem:s7+$0x440] =	vst v63;
	v52 =	vadd.f32 v43, v33  }
0x15c: {  	v53 =	vadd.s32 v14, v25;
	v17 =	vadd.f32 v21, v17;
	v54 =	vld.idx.msk [tilespmem:v60+s17+$0x0], $0xffff;
	[tilespmem:s25+$0x440] =	vst v50  }
0x15d: {  	v56 =	vadd.s32 v14, v22;
	v55 =	vadd.f32 v37, v16;
	[tilespmem:s9+$0x440] =	vst v52;
	v39 =	vld.idx.msk [tilespmem:v62+s17+$0x0], $0xffff  }
0x15e: {  	v57 =	vadd.s32 v14, v31;
	[tilespmem:s31+$0x470] =	vst v17;
	v17 =	vadd.f32 v41, v24;
	v58 =	vld.idx.msk [tilespmem:v48+s17+$0x0], $0xffff  }
0x15f: {  	v59 =	vld.idx.msk [tilespmem:v49+s17+$0x0], $0xffff;
	v61 =	vadd.s32 v14, v28;
	v60 =	vadd.f32 v38, v23;
	[tilespmem:s30+$0x450] =	vst v55  }
0x160: {  	[tilespmem:s12+$0x450] =	vst v17;
	v36 =	vld.idx.msk [tilespmem:v51+s17+$0x0], $0xffff;
	v17 =	vadd.f32 v40, v30;
	v62 =	vadd.s32 v14, v35  }
0x161: {  	v45 =	vadd.s32 v14, v32;
	[tilespmem:s0+$0x450] =	vst v60;
	v21 =	vld.idx.msk [tilespmem:v53+s17+$0x0], $0xffff;
	v63 =	vadd.f32 v54, v29  }
0x162: {  	v46 =	vadd.s32 v15, v20;
	v37 =	vld.idx.msk [tilespmem:v56+s17+$0x0], $0xffff;
	[tilespmem:s5+$0x450] =	vst v17;
	v17 =	vadd.f32 v39, v34  }
0x163: {  	v47 =	vadd.s32 v15, v19;
	v27 =	vld.idx.msk [tilespmem:v57+s17+$0x0], $0xffff;
	[tilespmem:s7+$0x450] =	vst v63;
	v48 =	vadd.f32 v58, v33  }
0x164: {  	v49 =	vadd.f32 v59, v18;
	v50 =	vadd.s32 v15, v25;
	v38 =	vld.idx.msk [tilespmem:v61+s17+$0x0], $0xffff;
	[tilespmem:s25+$0x450] =	vst v17  }
0x165: {  	v51 =	vadd.s32 v15, v22;
	v17 =	vadd.f32 v36, v16;
	[tilespmem:s9+$0x450] =	vst v48;
	v52 =	vld.idx.msk [tilespmem:v62+s17+$0x0], $0xffff  }
0x166: {  	[tilespmem:s1+$0x460] =	vst v49;
	v53 =	vadd.s32 v15, v31;
	v21 =	vadd.f32 v21, v24;
	v54 =	vld.idx.msk [tilespmem:v45+s17+$0x0], $0xffff  }
0x167: {  	v20 =	vld.idx.msk [tilespmem:v46+s17+$0x0], $0xffff;
	v55 =	vadd.s32 v15, v28;
	[tilespmem:s30+$0x460] =	vst v17;
	v17 =	vadd.f32 v37, v23  }
0x168: {  	v57 =	vadd.s32 v15, v35;
	[tilespmem:s12+$0x460] =	vst v21;
	v56 =	vadd.f32 v27, v30;
	v19 =	vld.idx.msk [tilespmem:v47+s17+$0x0], $0xffff  }
0x169: {  	v58 =	vadd.s32 v15, v32;
	v25 =	vld.idx.msk [tilespmem:v50+s17+$0x0], $0xffff;
	[tilespmem:s0+$0x460] =	vst v17;
	v17 =	vadd.f32 v38, v29  }
0x16a: {  	[tilespmem:s5+$0x460] =	vst v56;
	v22 =	vld.idx.msk [tilespmem:v51+s17+$0x0], $0xffff;
	v59 =	vadd.f32 v52, v34  }
0x16b: {  	v26 =	vld.idx.msk [tilespmem:v53+s17+$0x0], $0xffff;
	[tilespmem:s7+$0x460] =	vst v17;
	v17 =	vadd.f32 v54, v33  }
0x16c: {  	v60 =	vadd.f32 v20, v18;
	v61 =	vld.idx.msk [tilespmem:v55+s17+$0x0], $0xffff;
	[tilespmem:s25+$0x460] =	vst v59  }
0x16d: {  	v16 =	vadd.f32 v19, v16;
	[tilespmem:s9+$0x460] =	vst v17;
	v62 =	vld.idx.msk [tilespmem:v57+s17+$0x0], $0xffff  }
0x16e: {  	[tilespmem:s1+$0x470] =	vst v60;
	v17 =	vadd.f32 v25, v24;
	v63 =	vld.idx.msk [tilespmem:v58+s17+$0x0], $0xffff  }
0x16f: {  	[tilespmem:s30+$0x470] =	vst v16;
	v16 =	vadd.f32 v22, v23  }
0x170: {  	[tilespmem:s12+$0x470] =	vst v17;
	v17 =	vadd.f32 v26, v30  }
0x171: {  	p1 =	sne.s32 s26, $0x31;
	[tilespmem:s0+$0x470] =	vst v16;
	v16 =	vadd.f32 v61, v29  }
.Ltmp2:
0x172: {  	s31 =	sshll.u32 s29, $0x12;
	[tilespmem:s5+$0x470] =	vst v17;
	v17 =	vadd.f32 v62, v34;
	(pc) =	sbr.rel @p1 .LBB2_9-.Ltmp2, $4  }
0x173: {  	s0 =	sor.u32 s8, s31;
	[tilespmem:s7+$0x470] =	vst v16;
	v16 =	vadd.f32 v63, v33  }
0x174: {  	s0 =	sshrl.u32 s0, $0x3;
	[tilespmem:s25+$0x470] =	vst v17  }
0x175: {  	s0 =	sadd.s32 s2, s0;
	[tilespmem:s9+$0x470] =	vst v16  }
0x176: {  	[hbm4b:s0+s18] =	stream.strided.scatter [tilespmem:s20], [sflag:$0x3], $0x4000, s19, s18, $0x38;
	[tilespmem:$0x1DE00] =	vst v63  }
.Ltmp3:
0x177: {  	(pc) =	sbr.rel .LBB2_8-.Ltmp3, $4  }
0x178: {  	_ = 	snop  }
0x179: {  	_ =	swait.ge [sflag:s21], $0x4000  }
0x17a: {  	[sflag:s21] =	ssyncset.done $0x0  }
0x17b: {  	[sflag:s21] =	ssyncadd.s32 $0xFFFFC000  }
.LBB2_9:
0x17c: {  	s0 =	sshll.u32 s26, $0x9  }
0x17d: {  	s0 =	sand.u32 $0x3FFFFE00, s0  }
.Ltmp4:
0x17e: {  	s1 =	simm.s32 $0x9600;
	s0 =	sadd.s32 $0x3400, s0;
	(pc) =	sbr.rel @!p0 .LBB2_10-.Ltmp4, $4  }
0x17f: {  	[tilespmem:s1], [sflag:$0x1] =	stream.indirect.gather [hbm4b:s4+s11], $0x40, s0, s11, $0xb8;
	[tilespmem:$0x1DE00] =	vst v63  }
0x180: {  	_ =	swait.ge [sflag:s21], $0x4000  }
0x181: {  	[sflag:s21] =	ssyncset.done $0x0  }
0x182: {  	[sflag:s21] =	ssyncadd.s32 $0xFFFFC000  }
.LBB2_8:
0x183: {  	_ =	swait.ge [sflag:s22], $0x4000  }
0x184: {  	[sflag:s22] =	ssyncset.done $0x0  }
0x185: {  	[sflag:s22] =	ssyncadd.s32 $0xFFFFC000  }
.LBB2_10:
0x186: {  	s7 =	simm.s32 $0xD680  }
0x187: {  	v17 =	vld [tilespmem:s7+$0xFFFFFFC0]  }
0x188: {  	v16 =	vld [tilespmem:s7+$0x40]  }
0x189: {  	v18 =	vld [tilespmem:s7+$0x0];
	_ =	sdelay $0x1  }
0x18a: {  	s0 =	simm.s32 $0x11690  }
0x18b: {  	v19 =	vld [tilespmem:s7+$0xFFFFFF80];
	[tilespmem:s0+$0xFFFFFFB8] =	vst v17  }
0x18c: {  	[tilespmem:s0+$0x48] =	vst v16;
	v17 =	vld [tilespmem:s7+$0xFFFFFFD0]  }
0x18d: {  	[tilespmem:s0+$0x0] =	vst v18;
	v16 =	vld [tilespmem:s7+$0x50]  }
0x18e: {  	v18 =	vld [tilespmem:s7+$0x10]  }
0x18f: {  	s1 =	simm.s32 $0xD780  }
0x190: {  	v20 =	vld [tilespmem:s1+$0x40];
	[tilespmem:s0+$0xFFFFFF70] =	vst v19  }
0x191: {  	v19 =	vld [tilespmem:s7+$0xFFFFFF90];
	[tilespmem:s0+$0xFFFFFFC8] =	vst v17  }
0x192: {  	[tilespmem:s0+$0x58] =	vst v16;
	v17 =	vld [tilespmem:s7+$0xFFFFFFE0]  }
0x193: {  	[tilespmem:s0+$0x10] =	vst v18;
	v16 =	vld [tilespmem:s7+$0x60]  }
0x194: {  	s5 =	simm.s32 $0x117B0;
	v18 =	vld [tilespmem:s7+$0x20]  }
0x195: {  	v21 =	vld [tilespmem:s1+$0xFFFFFFC0];
	[tilespmem:s5+$0x48] =	vst v20  }
0x196: {  	v20 =	vld [tilespmem:s1+$0x50];
	[tilespmem:s0+$0xFFFFFF80] =	vst v19  }
0x197: {  	[tilespmem:s0+$0xFFFFFFD8] =	vst v17;
	v17 =	vld [tilespmem:s1+$0x0]  }
0x198: {  	v19 =	vld [tilespmem:s1+$0xFFFFFF80];
	[tilespmem:s0+$0x68] =	vst v16  }
0x199: {  	[tilespmem:s0+$0x20] =	vst v18;
	v18 =	vld [tilespmem:s7+$0xFFFFFFA0]  }
0x19a: {  	[tilespmem:s5+$0xFFFFFFB8] =	vst v21;
	v16 =	vld [tilespmem:s7+$0x70]  }
0x19b: {  	v21 =	vld [tilespmem:s1+$0xFFFFFFD0];
	[tilespmem:s5+$0x58] =	vst v20  }
0x19c: {  	[tilespmem:s5+$0x0] =	vst v17;
	v17 =	vld [tilespmem:s7+$0xFFFFFFF0]  }
0x19d: {  	[tilespmem:s5+$0xFFFFFF70] =	vst v19;
	v22 =	vld [tilespmem:s1+$0x10]  }
0x19e: {  	v23 =	vld [tilespmem:s1+$0xFFFFFF90];
	[tilespmem:s0+$0xFFFFFF90] =	vst v18  }
0x19f: {  	[tilespmem:s0+$0x78] =	vst v16;
	v16 =	vld [tilespmem:s7+$0xFFFFFFB0]  }
0x1a0: {  	[tilespmem:s5+$0xFFFFFFC8] =	vst v21;
	v18 =	vld [tilespmem:s1+$0x60]  }
0x1a1: {  	v19 =	vld [tilespmem:s1+$0xFFFFFFE0];
	[tilespmem:s0+$0xFFFFFFE8] =	vst v17  }
0x1a2: {  	v17 =	vld [tilespmem:s7+$0x30];
	[tilespmem:s5+$0x10] =	vst v22  }
0x1a3: {  	s9 =	simm.s32 $0xD880;
	[tilespmem:s5+$0xFFFFFF80] =	vst v23;
	s7 =	simm.s32 $0x4;
	v20 =	vld [tilespmem:s1+$0x20]  }
.LBB2_11:
0x1a4: {  	v21 =	vld [tilespmem:s9+$0x40];
	s7 =	sadd.s32 $0x4, s7;
	[tilespmem:s0+$0xFFFFFFA0] =	vst v16  }
0x1a5: {  	v16 =	vld [tilespmem:s9+$0xFFFFFFC0];
	p0 =	slt.u32 s7, $0xFC;
	[tilespmem:s5+$0x68] =	vst v18  }
0x1a6: {  	[tilespmem:s5+$0xFFFFFFD8] =	vst v19;
	v18 =	vld [tilespmem:s1+$0x70]  }
0x1a7: {  	v19 =	vld [tilespmem:s9+$0x0];
	[tilespmem:s0+$0x30] =	vst v17;
	s0 =	smov.u32 s5  }
0x1a8: {  	s5 =	sadd.s32 $0x120, s5;
	v17 =	vld [tilespmem:s9+$0xFFFFFF80];
	[tilespmem:s0+$0x20] =	vst v20  }
0x1a9: {  	[tilespmem:s5+$0x48] =	vst v21;
	v20 =	vld [tilespmem:s1+$0xFFFFFFA0]  }
0x1aa: {  	[tilespmem:s5+$0xFFFFFFB8] =	vst v16;
	v16 =	vld [tilespmem:s9+$0x50]  }
0x1ab: {  	v21 =	vld [tilespmem:s9+$0xFFFFFFD0];
	[tilespmem:s0+$0x78] =	vst v18  }
0x1ac: {  	[tilespmem:s5+$0x0] =	vst v19;
	v22 =	vld [tilespmem:s1+$0xFFFFFFF0]  }
0x1ad: {  	[tilespmem:s5+$0xFFFFFF70] =	vst v17;
	v17 =	vld [tilespmem:s9+$0x10]  }
0x1ae: {  	v23 =	vld [tilespmem:s9+$0xFFFFFF90];
	[tilespmem:s0+$0xFFFFFF90] =	vst v20  }
.Ltmp5:
0x1af: {  	[tilespmem:s5+$0x58] =	vst v16;
	v16 =	vld [tilespmem:s1+$0xFFFFFFB0];
	(pc) =	sbr.rel @p0 .LBB2_11-.Ltmp5, $4  }
0x1b0: {  	[tilespmem:s5+$0xFFFFFFC8] =	vst v21;
	v18 =	vld [tilespmem:s9+$0x60]  }
0x1b1: {  	v19 =	vld [tilespmem:s9+$0xFFFFFFE0];
	[tilespmem:s0+$0xFFFFFFE8] =	vst v22  }
0x1b2: {  	[tilespmem:s5+$0x10] =	vst v17;
	v17 =	vld [tilespmem:s1+$0x30];
	s1 =	smov.u32 s9  }
0x1b3: {  	s9 =	sadd.s32 $0x100, s9;
	[tilespmem:s5+$0xFFFFFF80] =	vst v23;
	v20 =	vld [tilespmem:s1+$0x20]  }
0x1b4: {  	_ =	sdelay $0x3  }
0x1b5: {  	[tilespmem:s5+$0x20] =	vst v20  }
0x1b6: {  	[tilespmem:s0+$0xFFFFFFA0] =	vst v16;
	v16 =	vld [tilespmem:s1+$0x30];
	_ =	sdelay $0x1  }
0x1b7: {  	v21 =	vld [tilespmem:s1+$0xFFFFFFA0]  }
0x1b8: {  	[tilespmem:s5+$0x68] =	vst v18  }
0x1b9: {  	s28 =	sadd.s32 s6, s28;
	v18 =	vld [tilespmem:s1+$0x70]  }
0x1ba: {  	[tilespmem:s5+$0x30] =	vst v16;
	v16 =	vmov s28  }
0x1bb: {  	s25 =	simm.s32 $0x1;
	[tilespmem:s5+$0xFFFFFFD8] =	vst v19;
	v16 =	vand.u32 $0xFF, v16  }
0x1bc: {  	s24 =	simm.s32 $0x0;
	v19 =	vld [tilespmem:s1+$0xFFFFFFF0];
	[tilespmem:s5+$0xFFFFFF90] =	vst v21;
	v33 =	vbroadcast v16, $0x0;
	v16 =	vmov s25  }
0x1bd: {  	[tilespmem:s0+$0x30] =	vst v17;
	v17 =	vmov s24;
	v20 =	vld [tilespmem:s1+$0xFFFFFFB0];
	v27 =	vand.u32 $0x3F, v16;
	v16 =	vmul.u32 $0xC8, v16  }
0x1be: {  	v21 =	vand.u32 $0x3E, v17;
	v17 =	vmul.u32 $0xC8, v17;
	[tilespmem:s5+$0x78] =	vst v18;
	v18 =	vadd.s32 v0, v27  }
0x1bf: {  	v16 =	vadd.s32 v33, v16  }
0x1c0: {  	v17 =	vadd.s32 v33, v17  }
0x1c1: {  	[tilespmem:s5+$0xFFFFFFE8] =	vst v19;
	v19 =	vadd.s32 v0, v21  }
0x1c2: {  	[tilespmem:s5+$0xFFFFFFA0] =	vst v20  }
0x1c3: {  	v18 =	vld.idx.msk [tilespmem:v18+s17+$0x0], $0xffff  }
0x1c4: {  	v26 =	vld.idx.msk [tilespmem:v16+s3+$0x0], $0xffff  }
0x1c5: {  	v17 =	vld.idx.msk [tilespmem:v17+s3+$0x0], $0xffff  }
0x1c6: {  	v16 =	vld.idx.msk [tilespmem:v19+s17+$0x0], $0xffff  }
0x1c7: {  	v19 =	vadd.s32 v1, v27  }
0x1c8: {  	s15 =	simm.s32 $0x80;
	s1 =	sand.u32 $0x3800, s24  }
0x1c9: {  	s0 =	sand.u32 $0x380, s15;
	s1 =	sadd.s32 $0x19E00, s1;
	v20 =	vadd.s32 v1, v21;
	v18 =	vadd.f32 v18, v26  }
0x1ca: {  	s31 =	simm.s32 $0x0;
	s13 =	sadd.s32 s0, s1  }
0x1cb: {  	s5 =	sand.u32 $0x300, s31;
	v16 =	vadd.f32 v16, v17;
	[tilespmem:s13+$0x0] =	vst v18  }
0x1cc: {  	s30 =	sadd.s32 s5, s1;
	v18 =	vld.idx.msk [tilespmem:v19+s17+$0x0], $0xffff  }
0x1cd: {  	[tilespmem:s30+$0x0] =	vst v16  }
0x1ce: {  	v16 =	vld.idx.msk [tilespmem:v20+s17+$0x0], $0xffff  }
0x1cf: {  	v19 =	vadd.s32 v2, v27;
	_ =	sdelay $0x1  }
0x1d0: {  	v20 =	vadd.s32 v2, v21;
	v18 =	vadd.f32 v18, v26;
	_ =	sdelay $0x1  }
0x1d1: {  	v16 =	vadd.f32 v16, v17;
	[tilespmem:s13+$0x10] =	vst v18  }
0x1d2: {  	v18 =	vld.idx.msk [tilespmem:v19+s17+$0x0], $0xffff  }
0x1d3: {  	[tilespmem:s30+$0x10] =	vst v16  }
0x1d4: {  	v16 =	vld.idx.msk [tilespmem:v20+s17+$0x0], $0xffff  }
0x1d5: {  	s7 =	simm.s32 $0x2;
	v22 =	vadd.s32 v3, v27  }
0x1d6: {  	s9 =	simm.s32 $0x3;
	v23 =	vmov s7  }
0x1d7: {  	v28 =	vmov s9;
	v24 =	vadd.s32 v3, v21;
	v18 =	vadd.f32 v18, v26  }
0x1d8: {  	v19 =	vand.u32 $0x3E, v23;
	v20 =	vand.u32 $0x3F, v28  }
0x1d9: {  	v25 =	vadd.s32 v0, v19;
	v16 =	vadd.f32 v16, v17;
	[tilespmem:s13+$0x20] =	vst v18;
	v18 =	vmul.u32 $0xC8, v28  }
0x1da: {  	v23 =	vmul.u32 $0xC8, v23;
	v28 =	vadd.s32 v0, v20;
	v22 =	vld.idx.msk [tilespmem:v22+s17+$0x0], $0xffff  }
0x1db: {  	[tilespmem:s30+$0x20] =	vst v16;
	v16 =	vadd.s32 v33, v18  }
0x1dc: {  	v23 =	vadd.s32 v33, v23;
	v24 =	vld.idx.msk [tilespmem:v24+s17+$0x0], $0xffff  }
0x1dd: {  	v29 =	vadd.s32 v4, v27  }
0x1de: {  	v25 =	vld.idx.msk [tilespmem:v25+s17+$0x0], $0xffff  }
0x1df: {  	v30 =	vadd.s32 v4, v21;
	v28 =	vld.idx.msk [tilespmem:v28+s17+$0x0], $0xffff;
	v22 =	vadd.f32 v22, v26  }
0x1e0: {  	v18 =	vld.idx.msk [tilespmem:v16+s3+$0x0], $0xffff  }
0x1e1: {  	v16 =	vld.idx.msk [tilespmem:v23+s3+$0x0], $0xffff;
	v23 =	vadd.f32 v24, v17;
	[tilespmem:s13+$0x30] =	vst v22  }
0x1e2: {  	v22 =	vld.idx.msk [tilespmem:v29+s17+$0x0], $0xffff  }
0x1e3: {  	s10 =	simm.s32 $0x200;
	[tilespmem:s30+$0x30] =	vst v23;
	v23 =	vadd.s32 v1, v20  }
0x1e4: {  	s12 =	simm.s32 $0x180;
	s0 =	sand.u32 $0x3800, s10;
	v29 =	vadd.s32 v1, v19;
	v24 =	vld.idx.msk [tilespmem:v30+s17+$0x0], $0xffff  }
0x1e5: {  	s14 =	simm.s32 $0x100;
	s0 =	sadd.s32 $0x19E00, s0;
	s1 =	sand.u32 $0x380, s12;
	v30 =	vadd.s32 v5, v27;
	v28 =	vadd.f32 v28, v18  }
0x1e6: {  	s5 =	sand.u32 $0x300, s14;
	s1 =	sadd.s32 s1, s0;
	v25 =	vadd.f32 v25, v16  }
0x1e7: {  	v31 =	vadd.s32 v5, v21;
	s29 =	sadd.s32 s5, s0;
	[tilespmem:s1+$0x0] =	vst v28;
	v22 =	vadd.f32 v22, v26  }
0x1e8: {  	[tilespmem:s29+$0x0] =	vst v25;
	v23 =	vld.idx.msk [tilespmem:v23+s17+$0x0], $0xffff  }
0x1e9: {  	v24 =	vadd.f32 v24, v17;
	v25 =	vld.idx.msk [tilespmem:v29+s17+$0x0], $0xffff;
	[tilespmem:s13+$0x40] =	vst v22  }
0x1ea: {  	v22 =	vld.idx.msk [tilespmem:v30+s17+$0x0], $0xffff  }
0x1eb: {  	[tilespmem:s30+$0x40] =	vst v24;
	v24 =	vadd.s32 v2, v20  }
0x1ec: {  	v29 =	vadd.s32 v2, v19;
	v28 =	vld.idx.msk [tilespmem:v31+s17+$0x0], $0xffff  }
0x1ed: {  	v30 =	vadd.s32 v6, v27;
	v23 =	vadd.f32 v23, v18  }
0x1ee: {  	v25 =	vadd.f32 v25, v16  }
0x1ef: {  	v31 =	vadd.s32 v6, v21;
	[tilespmem:s1+$0x10] =	vst v23;
	v22 =	vadd.f32 v22, v26  }
0x1f0: {  	[tilespmem:s29+$0x10] =	vst v25;
	v23 =	vld.idx.msk [tilespmem:v24+s17+$0x0], $0xffff  }
0x1f1: {  	v24 =	vadd.f32 v28, v17;
	v25 =	vld.idx.msk [tilespmem:v29+s17+$0x0], $0xffff;
	[tilespmem:s13+$0x50] =	vst v22  }
0x1f2: {  	v28 =	vld.idx.msk [tilespmem:v30+s17+$0x0], $0xffff  }
0x1f3: {  	s15 =	simm.s32 $0x4;
	[tilespmem:s30+$0x50] =	vst v24;
	v24 =	vadd.s32 v3, v20  }
0x1f4: {  	v37 =	vadd.s32 v7, v21;
	v29 =	vmov s15;
	v30 =	vld.idx.msk [tilespmem:v31+s17+$0x0], $0xffff;
	v31 =	vadd.s32 v3, v19  }
0x1f5: {  	s24 =	simm.s32 $0x5;
	v34 =	vadd.s32 v7, v27;
	v22 =	vand.u32 $0x3E, v29;
	v23 =	vadd.f32 v23, v18  }
0x1f6: {  	v35 =	vmov s24;
	v32 =	vadd.s32 v0, v22;
	v36 =	vadd.f32 v25, v16  }
0x1f7: {  	v25 =	vand.u32 $0x3F, v35;
	[tilespmem:s1+$0x20] =	vst v23;
	v23 =	vadd.f32 v28, v26;
	v28 =	vmul.u32 $0xC8, v35  }
0x1f8: {  	v29 =	vmul.u32 $0xC8, v29;
	v58 =	vadd.s32 v0, v25;
	[tilespmem:s29+$0x20] =	vst v36;
	v24 =	vld.idx.msk [tilespmem:v24+s17+$0x0], $0xffff  }
0x1f9: {  	v30 =	vadd.f32 v30, v17;
	v31 =	vld.idx.msk [tilespmem:v31+s17+$0x0], $0xffff;
	[tilespmem:s13+$0x60] =	vst v23;
	v23 =	vadd.s32 v33, v28  }
0x1fa: {  	v28 =	vadd.s32 v33, v29;
	v29 =	vld.idx.msk [tilespmem:v34+s17+$0x0], $0xffff  }
0x1fb: {  	v32 =	vld.idx.msk [tilespmem:v32+s17+$0x0], $0xffff;
	[tilespmem:s30+$0x60] =	vst v30;
	v30 =	vadd.s32 v4, v20  }
0x1fc: {  	v60 =	vadd.s32 v4, v19;
	v59 =	vld.idx.msk [tilespmem:v37+s17+$0x0], $0xffff  }
0x1fd: {  	v38 =	vadd.s32 v8, v27;
	v35 =	vld.idx.msk [tilespmem:v58+s17+$0x0], $0xffff;
	v61 =	vadd.f32 v24, v18  }
0x1fe: {  	v31 =	vadd.f32 v31, v16;
	v24 =	vld.idx.msk [tilespmem:v23+s3+$0x0], $0xffff  }
0x1ff: {  	v23 =	vld.idx.msk [tilespmem:v28+s3+$0x0], $0xffff;
	[tilespmem:s1+$0x30] =	vst v61;
	v29 =	vadd.f32 v29, v26  }
0x200: {  	v28 =	vadd.s32 v8, v21;
	[tilespmem:s29+$0x30] =	vst v31;
	v30 =	vld.idx.msk [tilespmem:v30+s17+$0x0], $0xffff  }
0x201: {  	s25 =	simm.s32 $0x400;
	v31 =	vadd.f32 v59, v17;
	v62 =	vld.idx.msk [tilespmem:v60+s17+$0x0], $0xffff;
	[tilespmem:s13+$0x70] =	vst v29;
	v29 =	vadd.s32 v1, v25  }
0x202: {  	s31 =	simm.s32 $0x280;
	s0 =	sand.u32 $0x3800, s25;
	v40 =	vadd.s32 v1, v22;
	v63 =	vld.idx.msk [tilespmem:v38+s17+$0x0], $0xffff  }
0x203: {  	s7 =	simm.s32 $0x200;
	s5 =	sand.u32 $0x380, s31;
	s0 =	sadd.s32 $0x19E00, s0;
	v41 =	vadd.s32 v5, v20;
	[tilespmem:s30+$0x70] =	vst v31;
	v31 =	vadd.f32 v35, v24  }
0x204: {  	s7 =	sand.u32 $0x300, s7;
	s12 =	sadd.s32 s5, s0;
	v42 =	vadd.s32 v5, v19;
	v32 =	vadd.f32 v32, v23  }
0x205: {  	s0 =	sadd.s32 s7, s0;
	v28 =	vld.idx.msk [tilespmem:v28+s17+$0x0], $0xffff;
	[tilespmem:s12+$0x0] =	vst v31;
	v30 =	vadd.f32 v30, v18  }
0x206: {  	v31 =	vadd.s32 v9, v27;
	[tilespmem:s0+$0x0] =	vst v32;
	v43 =	vadd.f32 v62, v16;
	v29 =	vld.idx.msk [tilespmem:v29+s17+$0x0], $0xffff  }
0x207: {  	v37 =	vld.idx.msk [tilespmem:v40+s17+$0x0], $0xffff;
	[tilespmem:s1+$0x40] =	vst v30;
	v30 =	vadd.f32 v63, v26  }
0x208: {  	v44 =	vadd.s32 v9, v21;
	[tilespmem:s29+$0x40] =	vst v43;
	v45 =	vld.idx.msk [tilespmem:v41+s17+$0x0], $0xffff  }
0x209: {  	v46 =	vld.idx.msk [tilespmem:v42+s17+$0x0], $0xffff;
	[tilespmem:s13+$0x400] =	vst v30;
	v30 =	vadd.s32 v2, v25  }
0x20a: {  	s7 =	simm.s32 $0x6;
	v47 =	vadd.s32 v2, v22;
	v28 =	vadd.f32 v28, v17  }
0x20b: {  	v39 =	vmov s7;
	v48 =	vadd.s32 v6, v20;
	v31 =	vld.idx.msk [tilespmem:v31+s17+$0x0], $0xffff;
	v29 =	vadd.f32 v29, v24  }
0x20c: {  	v40 =	vadd.s32 v6, v19;
	[tilespmem:s30+$0x400] =	vst v28;
	v28 =	vand.u32 $0x3E, v39;
	v37 =	vadd.f32 v37, v23  }
0x20d: {  	v50 =	vmul.u32 $0xC8, v39;
	v34 =	vld.idx.msk [tilespmem:v44+s17+$0x0], $0xffff;
	v41 =	vadd.s32 v0, v28;
	[tilespmem:s12+$0x10] =	vst v29;
	v29 =	vadd.f32 v45, v18  }
0x20e: {  	v49 =	vadd.s32 v10, v27;
	[tilespmem:s0+$0x10] =	vst v37;
	v35 =	vadd.f32 v46, v16;
	v30 =	vld.idx.msk [tilespmem:v30+s17+$0x0], $0xffff  }
0x20f: {  	v37 =	vadd.s32 v33, v50;
	v36 =	vld.idx.msk [tilespmem:v47+s17+$0x0], $0xffff;
	[tilespmem:s1+$0x50] =	vst v29  }
0x210: {  	v51 =	vadd.s32 v10, v21;
	v29 =	vadd.f32 v31, v26;
	[tilespmem:s29+$0x50] =	vst v35;
	v52 =	vld.idx.msk [tilespmem:v48+s17+$0x0], $0xffff  }
0x211: {  	v54 =	vadd.s32 v3, v25;
	v53 =	vld.idx.msk [tilespmem:v40+s17+$0x0], $0xffff  }
0x212: {  	s9 =	simm.s32 $0x7;
	v55 =	vadd.s32 v3, v22;
	v31 =	vadd.f32 v34, v17;
	v41 =	vld.idx.msk [tilespmem:v41+s17+$0x0], $0xffff;
	[tilespmem:s13+$0x410] =	vst v29  }
0x213: {  	v43 =	vmov s9;
	v42 =	vadd.s32 v7, v20;
	v32 =	vld.idx.msk [tilespmem:v49+s17+$0x0], $0xffff;
	v30 =	vadd.f32 v30, v24  }
0x214: {  	v44 =	vadd.s32 v7, v19;
	[tilespmem:s30+$0x410] =	vst v31;
	v31 =	vand.u32 $0x3F, v43;
	v29 =	vld.idx.msk [tilespmem:v37+s3+$0x0], $0xffff;
	v36 =	vadd.f32 v36, v23  }
0x215: {  	v57 =	vmul.u32 $0xC8, v43;
	v39 =	vld.idx.msk [tilespmem:v51+s17+$0x0], $0xffff;
	v58 =	vadd.s32 v0, v31;
	[tilespmem:s12+$0x20] =	vst v30;
	v30 =	vadd.f32 v52, v18  }
0x216: {  	v56 =	vadd.s32 v11, v27;
	[tilespmem:s0+$0x20] =	vst v36;
	v34 =	vadd.f32 v53, v16;
	v59 =	vld.idx.msk [tilespmem:v54+s17+$0x0], $0xffff  }
0x217: {  	v61 =	vadd.s32 v33, v57;
	v60 =	vld.idx.msk [tilespmem:v55+s17+$0x0], $0xffff;
	[tilespmem:s1+$0x60] =	vst v30  }
0x218: {  	v63 =	vadd.s32 v11, v21;
	v30 =	vadd.f32 v32, v26;
	[tilespmem:s29+$0x60] =	vst v34;
	v62 =	vld.idx.msk [tilespmem:v42+s17+$0x0], $0xffff  }
0x219: {  	v49 =	vadd.s32 v4, v25;
	v48 =	vld.idx.msk [tilespmem:v44+s17+$0x0], $0xffff  }
0x21a: {  	s10 =	simm.s32 $0x8;
	v50 =	vadd.s32 v4, v22;
	v43 =	vld.idx.msk [tilespmem:v58+s17+$0x0], $0xffff;
	[tilespmem:s13+$0x420] =	vst v30;
	v30 =	vadd.f32 v39, v17  }
0x21b: {  	v46 =	vmov s10;
	v51 =	vadd.s32 v8, v20;
	v35 =	vld.idx.msk [tilespmem:v56+s17+$0x0], $0xffff;
	v36 =	vadd.f32 v59, v24  }
0x21c: {  	v45 =	vadd.s32 v8, v19;
	v32 =	vand.u32 $0x3E, v46;
	[tilespmem:s30+$0x420] =	vst v30;
	v30 =	vld.idx.msk [tilespmem:v61+s3+$0x0], $0xffff;
	v38 =	vadd.f32 v60, v23  }
0x21d: {  	v54 =	vadd.s32 v0, v32;
	v37 =	vld.idx.msk [tilespmem:v63+s17+$0x0], $0xffff;
	[tilespmem:s12+$0x30] =	vst v36;
	v34 =	vadd.f32 v62, v18  }
0x21e: {  	v52 =	vadd.s32 v12, v27;
	[tilespmem:s0+$0x30] =	vst v38;
	v40 =	vadd.f32 v48, v16;
	v53 =	vld.idx.msk [tilespmem:v49+s17+$0x0], $0xffff  }
0x21f: {  	s9 =	simm.s32 $0x600;
	v56 =	vadd.s32 v1, v31;
	v39 =	vld.idx.msk [tilespmem:v50+s17+$0x0], $0xffff;
	[tilespmem:s1+$0x70] =	vst v34  }
0x220: {  	s24 =	simm.s32 $0x380;
	s14 =	sand.u32 $0x3800, s9;
	v58 =	vadd.s32 v1, v28;
	v55 =	vadd.f32 v35, v26;
	[tilespmem:s29+$0x70] =	vst v40;
	v57 =	vld.idx.msk [tilespmem:v51+s17+$0x0], $0xffff  }
0x221: {  	s25 =	sand.u32 $0x380, s24;
	s15 =	simm.s32 $0x300;
	s10 =	sadd.s32 $0x19E00, s14;
	v60 =	vadd.s32 v5, v25;
	v45 =	vld.idx.msk [tilespmem:v45+s17+$0x0], $0xffff;
	v59 =	vadd.f32 v43, v30  }
0x222: {  	s7 =	sand.u32 $0x300, s15;
	v47 =	vadd.s32 v5, v22;
	s5 =	sadd.s32 s25, s10;
	v41 =	vadd.f32 v41, v29;
	v36 =	vld.idx.msk [tilespmem:v54+s17+$0x0], $0xffff;
	[tilespmem:s13+$0x430] =	vst v55  }
0x223: {  	s7 =	sadd.s32 s7, s10;
	v62 =	vadd.s32 v9, v20;
	v48 =	vld.idx.msk [tilespmem:v52+s17+$0x0], $0xffff;
	[tilespmem:s5+$0x0] =	vst v59;
	v61 =	vadd.f32 v53, v24  }
0x224: {  	[tilespmem:s7+$0x0] =	vst v41;
	v63 =	vadd.s32 v9, v19;
	v35 =	vld.idx.msk [tilespmem:v56+s17+$0x0], $0xffff;
	v39 =	vadd.f32 v39, v23  }
0x225: {  	v54 =	vadd.s32 v12, v21;
	v49 =	vld.idx.msk [tilespmem:v58+s17+$0x0], $0xffff;
	[tilespmem:s12+$0x40] =	vst v61;
	v50 =	vadd.f32 v57, v18  }
0x226: {  	v51 =	vadd.s32 v13, v27;
	[tilespmem:s0+$0x40] =	vst v39;
	v53 =	vadd.f32 v45, v16;
	v52 =	vld.idx.msk [tilespmem:v60+s17+$0x0], $0xffff  }
0x227: {  	v58 =	vadd.s32 v2, v31;
	v37 =	vadd.f32 v37, v17;
	v55 =	vld.idx.msk [tilespmem:v47+s17+$0x0], $0xffff;
	[tilespmem:s1+$0x400] =	vst v50  }
0x228: {  	v59 =	vadd.s32 v2, v28;
	v57 =	vadd.f32 v48, v26;
	[tilespmem:s29+$0x400] =	vst v53;
	v38 =	vld.idx.msk [tilespmem:v62+s17+$0x0], $0xffff  }
0x229: {  	[tilespmem:s30+$0x430] =	vst v37;
	v61 =	vadd.s32 v6, v25;
	v41 =	vld.idx.msk [tilespmem:v63+s17+$0x0], $0xffff;
	v60 =	vadd.f32 v35, v30  }
0x22a: {  	v44 =	vld.idx.msk [tilespmem:v54+s17+$0x0], $0xffff;
	v62 =	vadd.f32 v49, v29;
	v63 =	vadd.s32 v6, v22;
	[tilespmem:s13+$0x440] =	vst v57  }
0x22b: {  	v57 =	vadd.s32 v10, v20;
	v37 =	vld.idx.msk [tilespmem:v51+s17+$0x0], $0xffff;
	[tilespmem:s5+$0x10] =	vst v60;
	v56 =	vadd.f32 v52, v24  }
0x22c: {  	v49 =	vadd.s32 v10, v19;
	[tilespmem:s7+$0x10] =	vst v62;
	v47 =	vld.idx.msk [tilespmem:v58+s17+$0x0], $0xffff;
	v58 =	vadd.f32 v55, v23  }
0x22d: {  	v60 =	vmul.u32 $0xC8, v46;
	v51 =	vld.idx.msk [tilespmem:v59+s17+$0x0], $0xffff;
	v52 =	vadd.s32 v13, v21;
	[tilespmem:s12+$0x50] =	vst v56;
	v59 =	vadd.f32 v38, v18  }
0x22e: {  	v50 =	vadd.s32 v14, v27;
	[tilespmem:s0+$0x50] =	vst v58;
	v42 =	vld.idx.msk [tilespmem:v61+s17+$0x0], $0xffff;
	v61 =	vadd.f32 v41, v16  }
0x22f: {  	v48 =	vadd.s32 v33, v60;
	v41 =	vld.idx.msk [tilespmem:v63+s17+$0x0], $0xffff;
	v63 =	vadd.f32 v44, v17;
	[tilespmem:s1+$0x410] =	vst v59  }
0x230: {  	v45 =	vadd.s32 v3, v31;
	v62 =	vadd.f32 v37, v26;
	[tilespmem:s29+$0x410] =	vst v61;
	v40 =	vld.idx.msk [tilespmem:v57+s17+$0x0], $0xffff  }
0x231: {  	v46 =	vadd.s32 v3, v28;
	[tilespmem:s30+$0x440] =	vst v63;
	v38 =	vld.idx.msk [tilespmem:v49+s17+$0x0], $0xffff  }
0x232: {  	s31 =	simm.s32 $0x9;
	v43 =	vadd.s32 v7, v25;
	v47 =	vadd.f32 v47, v30;
	[tilespmem:s13+$0x450] =	vst v62;
	v37 =	vld.idx.msk [tilespmem:v52+s17+$0x0], $0xffff  }
0x233: {  	s10 =	simm.s32 $0xA;
	v44 =	vadd.s32 v7, v22;
	v49 =	vadd.f32 v51, v29;
	v39 =	vld.idx.msk [tilespmem:v50+s17+$0x0], $0xffff;
	v50 =	vmov s31  }
.LBB2_13:
0x234: {  	p0 =	slt.u32 s10, $0x3E;
	v35 =	vld.idx.msk [tilespmem:v48+s3+$0x0], $0xffff;
	v48 =	vand.u32 $0x3F, v50;
	[tilespmem:s5+$0x20] =	vst v47;
	v51 =	vadd.f32 v42, v24;
	v42 =	vadd.s32 v11, v20;
	s25 =	smov.u32 s0;
	s0 =	smov.u32 s7  }
0x235: {  	v47 =	vmul.u32 $0xC8, v50;
	v41 =	vadd.f32 v41, v23;
	v50 =	vadd.s32 v0, v48;
	[tilespmem:s0+$0x20] =	vst v49;
	v45 =	vld.idx.msk [tilespmem:v45+s17+$0x0], $0xffff  }
0x236: {  	v34 =	vmov v29;
	v40 =	vadd.f32 v40, v18;
	v49 =	vadd.s32 v15, v27;
	v46 =	vld.idx.msk [tilespmem:v46+s17+$0x0], $0xffff;
	[tilespmem:s12+$0x60] =	vst v51  }
0x237: {  	v27 =	vmov v20;
	v47 =	vadd.s32 v33, v47;
	v51 =	vadd.f32 v38, v16;
	[tilespmem:s25+$0x60] =	vst v41;
	v41 =	vld.idx.msk [tilespmem:v43+s17+$0x0], $0xffff  }
0x238: {  	v20 =	vmov v25;
	v43 =	vadd.s32 v11, v19;
	v39 =	vadd.f32 v39, v26;
	v38 =	vld.idx.msk [tilespmem:v44+s17+$0x0], $0xffff;
	[tilespmem:s1+$0x420] =	vst v40  }
0x239: {  	v25 =	vmov v31;
	v40 =	vadd.s32 v4, v31;
	v37 =	vadd.f32 v37, v17;
	[tilespmem:s29+$0x420] =	vst v51;
	v42 =	vld.idx.msk [tilespmem:v42+s17+$0x0], $0xffff  }
0x23a: {  	v31 =	vmov v48;
	v29 =	vmov v35;
	v44 =	vld.idx.msk [tilespmem:v50+s17+$0x0], $0xffff;
	v50 =	vadd.s32 v4, v28;
	[tilespmem:s13+$0x460] =	vst v39  }
0x23b: {  	v35 =	vadd.f32 v45, v30;
	v39 =	vadd.s32 v8, v20;
	[tilespmem:s30+$0x450] =	vst v37;
	v37 =	vld.idx.msk [tilespmem:v49+s17+$0x0], $0xffff  }
0x23c: {  	v46 =	vadd.f32 v46, v34;
	v45 =	vld.idx.msk [tilespmem:v47+s3+$0x0], $0xffff;
	v47 =	vadd.s32 v8, v22  }
0x23d: {  	v48 =	vmov s10;
	[tilespmem:s5+$0x30] =	vst v35;
	v35 =	vadd.f32 v41, v24;
	v41 =	vld.idx.msk [tilespmem:v43+s17+$0x0], $0xffff;
	v43 =	vadd.s32 v12, v27  }
0x23e: {  	v49 =	vand.u32 $0x3E, v48;
	v38 =	vadd.f32 v38, v23;
	[tilespmem:s0+$0x30] =	vst v46;
	v40 =	vld.idx.msk [tilespmem:v40+s17+$0x0], $0xffff;
	v46 =	vadd.s32 v14, v21  }
0x23f: {  	v51 =	vadd.s32 v0, v49;
	v50 =	vld.idx.msk [tilespmem:v50+s17+$0x0], $0xffff;
	[tilespmem:s12+$0x70] =	vst v35;
	v35 =	vadd.f32 v42, v18  }
0x240: {  	s9 =	sadd.s32 $0x200, s9;
	v42 =	vadd.s32 v1, v31;
	[tilespmem:s25+$0x70] =	vst v38;
	v38 =	vld.idx.msk [tilespmem:v39+s17+$0x0], $0xffff  }
0x241: {  	s24 =	sadd.s32 $0x100, s24;
	s7 =	sand.u32 $0x3800, s9;
	v39 =	vadd.s32 v1, v32;
	v47 =	vld.idx.msk [tilespmem:v47+s17+$0x0], $0xffff;
	[tilespmem:s1+$0x430] =	vst v35;
	v35 =	vadd.f32 v37, v26;
	v26 =	vmov v18  }
0x242: {  	s14 =	sadd.s32 $0xFFFFFF80, s24;
	s15 =	sand.u32 $0x380, s24;
	s7 =	sadd.s32 $0x19E00, s7;
	v52 =	vadd.s32 v5, v25;
	v37 =	vadd.f32 v44, v45;
	v44 =	vadd.s32 v5, v28;
	v43 =	vld.idx.msk [tilespmem:v43+s17+$0x0], $0xffff  }
0x243: {  	s14 =	sand.u32 $0x300, s14;
	s15 =	sadd.s32 s15, s7;
	v53 =	vadd.f32 v36, v29;
	v18 =	vmov v24;
	v41 =	vadd.f32 v41, v16;
	v46 =	vld.idx.msk [tilespmem:v46+s17+$0x0], $0xffff;
	[tilespmem:s13+$0x470] =	vst v35;
	s13 =	smov.u32 s1  }
0x244: {  	s7 =	sadd.s32 s14, s7;
	v24 =	vmov v30;
	v35 =	vadd.f32 v40, v30;
	s1 =	smov.u32 s12;
	s12 =	smov.u32 s5;
	v36 =	vld.idx.msk [tilespmem:v51+s17+$0x0], $0xffff;
	[tilespmem:s15+$0x0] =	vst v37;
	v37 =	vadd.s32 v9, v20  }
0x245: {  	v30 =	vmov v45;
	s5 =	smov.u32 s15;
	[tilespmem:s7+$0x0] =	vst v53;
	v40 =	vld.idx.msk [tilespmem:v42+s17+$0x0], $0xffff;
	v42 =	vadd.f32 v50, v34;
	v50 =	vadd.s32 v9, v22  }
0x246: {  	v39 =	vld.idx.msk [tilespmem:v39+s17+$0x0], $0xffff;
	[tilespmem:s12+$0x40] =	vst v35;
	v35 =	vadd.f32 v38, v18;
	v38 =	vadd.s32 v13, v27  }
0x247: {  	v45 =	vadd.f32 v47, v23;
	v47 =	vadd.s32 v12, v19;
	[tilespmem:s0+$0x40] =	vst v42;
	v42 =	vld.idx.msk [tilespmem:v52+s17+$0x0], $0xffff  }
0x248: {  	v44 =	vld.idx.msk [tilespmem:v44+s17+$0x0], $0xffff;
	[tilespmem:s1+$0x400] =	vst v35;
	v35 =	vadd.f32 v43, v26;
	v43 =	vadd.s32 v15, v21;
	v21 =	vmov v19  }
0x249: {  	v51 =	vadd.s32 v2, v31;
	v19 =	vmov v22;
	[tilespmem:s25+$0x400] =	vst v45;
	v37 =	vld.idx.msk [tilespmem:v37+s17+$0x0], $0xffff;
	v45 =	vadd.f32 v46, v17  }
0x24a: {  	v22 =	vmovc v28;
	v28 =	vmov v32;
	v46 =	vadd.s32 v2, v32;
	v32 =	vmov v49;
	v50 =	vld.idx.msk [tilespmem:v50+s17+$0x0], $0xffff;
	[tilespmem:s13+$0x440] =	vst v35  }
0x24b: {  	v35 =	vadd.f32 v40, v30;
	v40 =	vadd.s32 v6, v25;
	[tilespmem:s29+$0x430] =	vst v41;
	v38 =	vld.idx.msk [tilespmem:v38+s17+$0x0], $0xffff  }
0x24c: {  	v39 =	vadd.f32 v39, v29;
	v41 =	vadd.s32 v6, v22;
	v47 =	vld.idx.msk [tilespmem:v47+s17+$0x0], $0xffff;
	[tilespmem:s30+$0x460] =	vst v45  }
0x24d: {  	v49 =	vadd.s32 v10, v20;
	[tilespmem:s5+$0x10] =	vst v35;
	v35 =	vadd.f32 v42, v24;
	v43 =	vld.idx.msk [tilespmem:v43+s17+$0x0], $0xffff  }
0x24e: {  	v42 =	vadd.f32 v44, v34;
	v44 =	vadd.s32 v10, v19;
	[tilespmem:s7+$0x10] =	vst v39;
	v39 =	vld.idx.msk [tilespmem:v51+s17+$0x0], $0xffff  }
0x24f: {  	v45 =	vmul.u32 $0xC8, v48;
	v51 =	vld.idx.msk [tilespmem:v46+s17+$0x0], $0xffff;
	[tilespmem:s12+$0x50] =	vst v35;
	v35 =	vadd.f32 v37, v18;
	v37 =	vadd.s32 v14, v27  }
0x250: {  	v52 =	vadd.s32 v13, v21;
	[tilespmem:s0+$0x50] =	vst v42;
	v42 =	vld.idx.msk [tilespmem:v40+s17+$0x0], $0xffff;
	v40 =	vadd.f32 v50, v23  }
.Ltmp6:
0x251: {  	v48 =	vadd.s32 v33, v45;
	v41 =	vld.idx.msk [tilespmem:v41+s17+$0x0], $0xffff;
	[tilespmem:s1+$0x410] =	vst v35;
	v35 =	vadd.f32 v38, v26;
	(pc) =	sbr.rel @p0 .LBB2_13-.Ltmp6, $4  }
0x252: {  	v45 =	vadd.s32 v3, v31;
	[tilespmem:s25+$0x410] =	vst v40;
	v40 =	vld.idx.msk [tilespmem:v49+s17+$0x0], $0xffff;
	v49 =	vadd.f32 v47, v16  }
0x253: {  	v46 =	vadd.s32 v3, v28;
	v38 =	vld.idx.msk [tilespmem:v44+s17+$0x0], $0xffff;
	[tilespmem:s13+$0x450] =	vst v35;
	v35 =	vadd.f32 v43, v17;
	v17 =	vmov v16  }
0x254: {  	s14 =	sadd.s32 $0x1, s10;
	v47 =	vadd.f32 v39, v30;
	v43 =	vadd.s32 v7, v25;
	v16 =	vmov v23;
	[tilespmem:s29+$0x440] =	vst v49;
	v39 =	vld.idx.msk [tilespmem:v37+s17+$0x0], $0xffff  }
0x255: {  	s10 =	sadd.s32 $0x2, s10;
	v50 =	vmov s14;
	v44 =	vadd.s32 v7, v22;
	v23 =	vmovc v34;
	v49 =	vadd.f32 v51, v29;
	v37 =	vld.idx.msk [tilespmem:v52+s17+$0x0], $0xffff;
	[tilespmem:s30+$0x470] =	vst v35;
	s30 =	smov.u32 s29;
	s29 =	smov.u32 s25  }
0x256: {  	v35 =	vand.u32 $0x3F, v50;
	v34 =	vmul.u32 $0xC8, v50  }
0x257: {  	v57 =	vadd.s32 v0, v35  }
0x258: {  	v33 =	vadd.s32 v33, v34;
	_ =	sdelay $0x3  }
0x259: {  	v50 =	vld.idx.msk [tilespmem:v57+s17+$0x0], $0xffff  }
0x25a: {  	v34 =	vld.idx.msk [tilespmem:v33+s3+$0x0], $0xffff  }
0x25b: {  	v33 =	vld.idx.msk [tilespmem:v48+s3+$0x0], $0xffff;
	_ =	sdelay $0x1  }
0x25c: {  	s9 =	sadd.s32 $0x200, s9;
	v58 =	vadd.s32 v1, v35  }
0x25d: {  	v51 =	vadd.s32 v1, v32;
	s10 =	sadd.s32 $0x100, s24;
	s9 =	sand.u32 $0x3800, s9  }
0x25e: {  	s14 =	sadd.s32 $0xFFFFFF80, s10;
	s10 =	sand.u32 $0x380, s10;
	s9 =	sadd.s32 $0x19E00, s9;
	v50 =	vadd.f32 v50, v34  }
0x25f: {  	s14 =	sand.u32 $0x300, s14;
	s25 =	sadd.s32 s10, s9;
	v36 =	vadd.f32 v36, v33  }
0x260: {  	s9 =	sadd.s32 s14, s9;
	[tilespmem:s25+$0x0] =	vst v50  }
0x261: {  	[tilespmem:s9+$0x0] =	vst v36;
	v59 =	vld.idx.msk [tilespmem:v58+s17+$0x0], $0xffff  }
0x262: {  	v60 =	vld.idx.msk [tilespmem:v51+s17+$0x0], $0xffff;
	_ =	sdelay $0x1  }
0x263: {  	v61 =	vadd.s32 v2, v35  }
0x264: {  	v62 =	vadd.s32 v2, v32  }
0x265: {  	v36 =	vadd.f32 v59, v34  }
0x266: {  	v48 =	vadd.f32 v60, v33  }
0x267: {  	[tilespmem:s25+$0x10] =	vst v36  }
0x268: {  	[tilespmem:s9+$0x10] =	vst v48;
	v36 =	vld.idx.msk [tilespmem:v61+s17+$0x0], $0xffff  }
0x269: {  	v48 =	vld.idx.msk [tilespmem:v62+s17+$0x0], $0xffff;
	_ =	sdelay $0x1  }
0x26a: {  	v63 =	vadd.s32 v3, v35  }
0x26b: {  	v54 =	vadd.s32 v3, v32  }
0x26c: {  	[tilespmem:s5+$0x20] =	vst v47;
	v36 =	vadd.f32 v36, v34  }
0x26d: {  	[tilespmem:s7+$0x20] =	vst v49;
	v45 =	vld.idx.msk [tilespmem:v45+s17+$0x0], $0xffff;
	v55 =	vadd.f32 v48, v33  }
0x26e: {  	v46 =	vld.idx.msk [tilespmem:v46+s17+$0x0], $0xffff;
	[tilespmem:s25+$0x20] =	vst v36  }
0x26f: {  	[tilespmem:s9+$0x20] =	vst v55;
	v36 =	vld.idx.msk [tilespmem:v63+s17+$0x0], $0xffff  }
0x270: {  	v56 =	vadd.s32 v4, v31;
	v57 =	vld.idx.msk [tilespmem:v54+s17+$0x0], $0xffff  }
0x271: {  	v58 =	vadd.s32 v4, v28  }
0x272: {  	v45 =	vadd.f32 v45, v30;
	v59 =	vadd.s32 v4, v35  }
0x273: {  	v46 =	vadd.f32 v46, v29;
	v60 =	vadd.s32 v4, v32  }
0x274: {  	[tilespmem:s5+$0x30] =	vst v45;
	v36 =	vadd.f32 v36, v34  }
0x275: {  	[tilespmem:s7+$0x30] =	vst v46;
	v45 =	vld.idx.msk [tilespmem:v56+s17+$0x0], $0xffff;
	v61 =	vadd.f32 v57, v33  }
0x276: {  	v62 =	vld.idx.msk [tilespmem:v58+s17+$0x0], $0xffff;
	[tilespmem:s25+$0x30] =	vst v36  }
0x277: {  	[tilespmem:s9+$0x30] =	vst v61;
	v36 =	vld.idx.msk [tilespmem:v59+s17+$0x0], $0xffff  }
0x278: {  	v63 =	vadd.s32 v5, v31;
	v54 =	vld.idx.msk [tilespmem:v60+s17+$0x0], $0xffff  }
0x279: {  	v55 =	vadd.s32 v5, v28  }
0x27a: {  	v56 =	vadd.s32 v5, v35;
	v45 =	vadd.f32 v45, v30  }
0x27b: {  	v47 =	vadd.f32 v62, v29;
	v57 =	vadd.s32 v5, v32  }
0x27c: {  	[tilespmem:s5+$0x40] =	vst v45;
	v36 =	vadd.f32 v36, v34  }
0x27d: {  	[tilespmem:s7+$0x40] =	vst v47;
	v45 =	vld.idx.msk [tilespmem:v63+s17+$0x0], $0xffff;
	v58 =	vadd.f32 v54, v33  }
0x27e: {  	v47 =	vld.idx.msk [tilespmem:v55+s17+$0x0], $0xffff;
	[tilespmem:s25+$0x40] =	vst v36  }
0x27f: {  	[tilespmem:s9+$0x40] =	vst v58;
	v36 =	vld.idx.msk [tilespmem:v56+s17+$0x0], $0xffff  }
0x280: {  	v59 =	vadd.s32 v6, v31;
	v60 =	vld.idx.msk [tilespmem:v57+s17+$0x0], $0xffff  }
0x281: {  	v61 =	vadd.s32 v6, v28  }
0x282: {  	v62 =	vadd.s32 v6, v35;
	v45 =	vadd.f32 v45, v30  }
0x283: {  	v63 =	vadd.s32 v6, v32;
	v47 =	vadd.f32 v47, v29  }
0x284: {  	[tilespmem:s5+$0x50] =	vst v45;
	v36 =	vadd.f32 v36, v34  }
0x285: {  	[tilespmem:s7+$0x50] =	vst v47;
	v45 =	vld.idx.msk [tilespmem:v59+s17+$0x0], $0xffff;
	v53 =	vadd.f32 v60, v33  }
0x286: {  	v47 =	vld.idx.msk [tilespmem:v61+s17+$0x0], $0xffff;
	[tilespmem:s25+$0x50] =	vst v36  }
0x287: {  	v42 =	vadd.f32 v42, v24;
	[tilespmem:s9+$0x50] =	vst v53;
	v36 =	vld.idx.msk [tilespmem:v62+s17+$0x0], $0xffff  }
0x288: {  	v41 =	vadd.f32 v41, v23;
	v54 =	vadd.s32 v7, v31;
	v55 =	vld.idx.msk [tilespmem:v63+s17+$0x0], $0xffff  }
0x289: {  	[tilespmem:s12+$0x60] =	vst v42;
	v56 =	vadd.s32 v7, v28  }
0x28a: {  	[tilespmem:s0+$0x60] =	vst v41;
	v59 =	vld.idx.msk [tilespmem:v43+s17+$0x0], $0xffff;
	v58 =	vadd.s32 v7, v35;
	v57 =	vadd.f32 v45, v30  }
0x28b: {  	v44 =	vld.idx.msk [tilespmem:v44+s17+$0x0], $0xffff;
	v61 =	vadd.s32 v7, v32;
	v60 =	vadd.f32 v47, v29  }
0x28c: {  	[tilespmem:s5+$0x60] =	vst v57;
	v36 =	vadd.f32 v36, v34  }
0x28d: {  	v42 =	vld.idx.msk [tilespmem:v54+s17+$0x0], $0xffff;
	[tilespmem:s7+$0x60] =	vst v60;
	v62 =	vadd.f32 v55, v33  }
0x28e: {  	v63 =	vadd.s32 v8, v25;
	v52 =	vld.idx.msk [tilespmem:v56+s17+$0x0], $0xffff;
	[tilespmem:s25+$0x60] =	vst v36  }
0x28f: {  	v41 =	vadd.f32 v59, v24;
	v54 =	vadd.s32 v8, v22;
	[tilespmem:s9+$0x60] =	vst v62;
	v55 =	vld.idx.msk [tilespmem:v58+s17+$0x0], $0xffff  }
0x290: {  	v57 =	vadd.f32 v44, v23;
	v56 =	vadd.s32 v8, v31;
	v47 =	vld.idx.msk [tilespmem:v61+s17+$0x0], $0xffff  }
0x291: {  	[tilespmem:s12+$0x70] =	vst v41;
	v53 =	vadd.f32 v40, v18;
	v58 =	vadd.s32 v8, v28  }
0x292: {  	[tilespmem:s0+$0x70] =	vst v57;
	v60 =	vadd.s32 v8, v35;
	v59 =	vadd.f32 v42, v30  }
0x293: {  	[tilespmem:s1+$0x420] =	vst v53;
	v62 =	vadd.f32 v52, v29;
	v61 =	vld.idx.msk [tilespmem:v63+s17+$0x0], $0xffff;
	v63 =	vadd.s32 v8, v32  }
0x294: {  	v40 =	vld.idx.msk [tilespmem:v54+s17+$0x0], $0xffff;
	[tilespmem:s5+$0x70] =	vst v59;
	v50 =	vadd.f32 v55, v34  }
0x295: {  	v51 =	vadd.s32 v11, v20;
	v45 =	vld.idx.msk [tilespmem:v56+s17+$0x0], $0xffff;
	[tilespmem:s7+$0x70] =	vst v62;
	v52 =	vadd.f32 v47, v33  }
0x296: {  	v38 =	vadd.f32 v38, v16;
	v53 =	vadd.s32 v9, v25;
	v44 =	vld.idx.msk [tilespmem:v58+s17+$0x0], $0xffff;
	[tilespmem:s25+$0x70] =	vst v50  }
0x297: {  	v39 =	vadd.f32 v39, v26;
	v54 =	vadd.s32 v9, v22;
	[tilespmem:s9+$0x70] =	vst v52;
	v42 =	vld.idx.msk [tilespmem:v60+s17+$0x0], $0xffff  }
0x298: {  	[tilespmem:s29+$0x420] =	vst v38;
	v36 =	vadd.f32 v61, v24;
	v55 =	vadd.s32 v9, v31;
	v46 =	vld.idx.msk [tilespmem:v63+s17+$0x0], $0xffff  }
0x299: {  	[tilespmem:s13+$0x460] =	vst v39;
	v57 =	vadd.s32 v9, v28;
	v56 =	vadd.f32 v40, v23  }
0x29a: {  	v43 =	vld.idx.msk [tilespmem:v51+s17+$0x0], $0xffff;
	v59 =	vadd.s32 v9, v35;
	v58 =	vadd.f32 v45, v30;
	[tilespmem:s12+$0x400] =	vst v36  }
0x29b: {  	[tilespmem:s0+$0x400] =	vst v56;
	v61 =	vadd.s32 v9, v32;
	v60 =	vld.idx.msk [tilespmem:v53+s17+$0x0], $0xffff;
	v44 =	vadd.f32 v44, v29  }
0x29c: {  	v27 =	vadd.s32 v15, v27;
	v41 =	vld.idx.msk [tilespmem:v54+s17+$0x0], $0xffff;
	[tilespmem:s5+$0x400] =	vst v58;
	v62 =	vadd.f32 v42, v34  }
0x29d: {  	v63 =	vadd.s32 v12, v20;
	v38 =	vld.idx.msk [tilespmem:v55+s17+$0x0], $0xffff;
	[tilespmem:s7+$0x400] =	vst v44;
	v48 =	vadd.f32 v46, v33  }
0x29e: {  	v49 =	vadd.s32 v10, v25;
	v37 =	vadd.f32 v37, v17;
	v40 =	vld.idx.msk [tilespmem:v57+s17+$0x0], $0xffff;
	[tilespmem:s25+$0x400] =	vst v62  }
0x29f: {  	v51 =	vadd.s32 v10, v22;
	v50 =	vadd.f32 v43, v18;
	[tilespmem:s9+$0x400] =	vst v48;
	v52 =	vld.idx.msk [tilespmem:v59+s17+$0x0], $0xffff  }
0x2a0: {  	[tilespmem:s30+$0x450] =	vst v37;
	v54 =	vadd.s32 v10, v31;
	v53 =	vadd.f32 v60, v24;
	v55 =	vld.idx.msk [tilespmem:v61+s17+$0x0], $0xffff  }
0x2a1: {  	v27 =	vld.idx.msk [tilespmem:v27+s17+$0x0], $0xffff;
	v56 =	vadd.f32 v41, v23;
	[tilespmem:s1+$0x430] =	vst v50;
	v57 =	vadd.s32 v10, v28  }
0x2a2: {  	v42 =	vld.idx.msk [tilespmem:v63+s17+$0x0], $0xffff;
	[tilespmem:s12+$0x410] =	vst v53;
	v58 =	vadd.f32 v38, v30;
	v59 =	vadd.s32 v10, v35  }
0x2a3: {  	[tilespmem:s0+$0x410] =	vst v56;
	v60 =	vld.idx.msk [tilespmem:v49+s17+$0x0], $0xffff;
	v61 =	vadd.s32 v10, v32;
	v40 =	vadd.f32 v40, v29  }
0x2a4: {  	v43 =	vld.idx.msk [tilespmem:v51+s17+$0x0], $0xffff;
	v62 =	vadd.s32 v11, v19;
	[tilespmem:s5+$0x410] =	vst v58;
	v63 =	vadd.f32 v52, v34  }
0x2a5: {  	v48 =	vadd.s32 v14, v21;
	v39 =	vld.idx.msk [tilespmem:v54+s17+$0x0], $0xffff;
	[tilespmem:s7+$0x410] =	vst v40;
	v49 =	vadd.f32 v55, v33  }
0x2a6: {  	v50 =	vadd.f32 v27, v26;
	v51 =	vadd.s32 v11, v25;
	v41 =	vld.idx.msk [tilespmem:v57+s17+$0x0], $0xffff;
	[tilespmem:s25+$0x410] =	vst v63  }
0x2a7: {  	v53 =	vadd.s32 v11, v22;
	v52 =	vadd.f32 v42, v18;
	[tilespmem:s9+$0x410] =	vst v49;
	v38 =	vld.idx.msk [tilespmem:v59+s17+$0x0], $0xffff  }
0x2a8: {  	[tilespmem:s13+$0x470] =	vst v50;
	v54 =	vadd.f32 v60, v24;
	v55 =	vadd.s32 v11, v31;
	v40 =	vld.idx.msk [tilespmem:v61+s17+$0x0], $0xffff  }
0x2a9: {  	v58 =	vadd.s32 v11, v28;
	v56 =	vld.idx.msk [tilespmem:v62+s17+$0x0], $0xffff;
	v57 =	vadd.f32 v43, v23;
	[tilespmem:s1+$0x440] =	vst v52  }
0x2aa: {  	v44 =	vld.idx.msk [tilespmem:v48+s17+$0x0], $0xffff;
	v60 =	vadd.s32 v11, v35;
	[tilespmem:s12+$0x420] =	vst v54;
	v59 =	vadd.f32 v39, v30  }
0x2ab: {  	v62 =	vadd.s32 v11, v32;
	[tilespmem:s0+$0x420] =	vst v57;
	v27 =	vld.idx.msk [tilespmem:v51+s17+$0x0], $0xffff;
	v61 =	vadd.f32 v41, v29  }
0x2ac: {  	v63 =	vadd.s32 v13, v20;
	v42 =	vld.idx.msk [tilespmem:v53+s17+$0x0], $0xffff;
	[tilespmem:s5+$0x420] =	vst v59;
	v48 =	vadd.f32 v38, v34  }
0x2ad: {  	v49 =	vadd.s32 v12, v19;
	v36 =	vld.idx.msk [tilespmem:v55+s17+$0x0], $0xffff;
	[tilespmem:s7+$0x420] =	vst v61;
	v50 =	vadd.f32 v40, v33  }
0x2ae: {  	v52 =	vadd.s32 v12, v25;
	v51 =	vadd.f32 v56, v16;
	v43 =	vld.idx.msk [tilespmem:v58+s17+$0x0], $0xffff;
	[tilespmem:s25+$0x420] =	vst v48  }
0x2af: {  	v54 =	vadd.s32 v12, v22;
	v53 =	vadd.f32 v44, v17;
	[tilespmem:s9+$0x420] =	vst v50;
	v55 =	vld.idx.msk [tilespmem:v60+s17+$0x0], $0xffff  }
0x2b0: {  	v56 =	vadd.s32 v12, v31;
	[tilespmem:s29+$0x430] =	vst v51;
	v27 =	vadd.f32 v27, v24;
	v57 =	vld.idx.msk [tilespmem:v62+s17+$0x0], $0xffff  }
0x2b1: {  	[tilespmem:s30+$0x460] =	vst v53;
	v58 =	vld.idx.msk [tilespmem:v63+s17+$0x0], $0xffff;
	v59 =	vadd.f32 v42, v23;
	v60 =	vadd.s32 v12, v28  }
0x2b2: {  	v38 =	vld.idx.msk [tilespmem:v49+s17+$0x0], $0xffff;
	[tilespmem:s12+$0x430] =	vst v27;
	v61 =	vadd.f32 v36, v30;
	v62 =	vadd.s32 v12, v35  }
0x2b3: {  	[tilespmem:s0+$0x430] =	vst v59;
	v48 =	vadd.s32 v12, v32;
	v45 =	vld.idx.msk [tilespmem:v52+s17+$0x0], $0xffff;
	v63 =	vadd.f32 v43, v29  }
0x2b4: {  	v49 =	vadd.s32 v15, v21;
	v44 =	vld.idx.msk [tilespmem:v54+s17+$0x0], $0xffff;
	[tilespmem:s5+$0x430] =	vst v61;
	v50 =	vadd.f32 v55, v34  }
0x2b5: {  	v51 =	vadd.s32 v13, v19;
	v39 =	vld.idx.msk [tilespmem:v56+s17+$0x0], $0xffff;
	[tilespmem:s7+$0x430] =	vst v63;
	v52 =	vadd.f32 v57, v33  }
0x2b6: {  	v54 =	vadd.s32 v13, v25;
	v53 =	vadd.f32 v58, v18;
	v42 =	vld.idx.msk [tilespmem:v60+s17+$0x0], $0xffff;
	[tilespmem:s25+$0x430] =	vst v50  }
0x2b7: {  	v56 =	vadd.s32 v13, v22;
	v55 =	vadd.f32 v38, v16;
	[tilespmem:s9+$0x430] =	vst v52;
	v36 =	vld.idx.msk [tilespmem:v62+s17+$0x0], $0xffff  }
0x2b8: {  	v58 =	vadd.s32 v13, v31;
	[tilespmem:s1+$0x450] =	vst v53;
	v57 =	vadd.f32 v45, v24;
	v43 =	vld.idx.msk [tilespmem:v48+s17+$0x0], $0xffff  }
0x2b9: {  	v21 =	vld.idx.msk [tilespmem:v49+s17+$0x0], $0xffff;
	v59 =	vadd.f32 v44, v23;
	v60 =	vadd.s32 v13, v28;
	[tilespmem:s29+$0x440] =	vst v55  }
0x2ba: {  	[tilespmem:s12+$0x440] =	vst v57;
	v37 =	vld.idx.msk [tilespmem:v51+s17+$0x0], $0xffff;
	v61 =	vadd.f32 v39, v30;
	v62 =	vadd.s32 v13, v35  }
0x2bb: {  	[tilespmem:s0+$0x440] =	vst v59;
	v41 =	vld.idx.msk [tilespmem:v54+s17+$0x0], $0xffff;
	v48 =	vadd.s32 v13, v32;
	v63 =	vadd.f32 v42, v29  }
0x2bc: {  	v49 =	vadd.s32 v14, v20;
	v38 =	vld.idx.msk [tilespmem:v56+s17+$0x0], $0xffff;
	[tilespmem:s5+$0x440] =	vst v61;
	v50 =	vadd.f32 v36, v34  }
0x2bd: {  	v51 =	vadd.s32 v14, v19;
	v40 =	vld.idx.msk [tilespmem:v58+s17+$0x0], $0xffff;
	[tilespmem:s7+$0x440] =	vst v63;
	v52 =	vadd.f32 v43, v33  }
0x2be: {  	v53 =	vadd.s32 v14, v25;
	v17 =	vadd.f32 v21, v17;
	v54 =	vld.idx.msk [tilespmem:v60+s17+$0x0], $0xffff;
	[tilespmem:s25+$0x440] =	vst v50  }
0x2bf: {  	v56 =	vadd.s32 v14, v22;
	v55 =	vadd.f32 v37, v16;
	[tilespmem:s9+$0x440] =	vst v52;
	v39 =	vld.idx.msk [tilespmem:v62+s17+$0x0], $0xffff  }
0x2c0: {  	v57 =	vadd.s32 v14, v31;
	[tilespmem:s30+$0x470] =	vst v17;
	v17 =	vadd.f32 v41, v24;
	v58 =	vld.idx.msk [tilespmem:v48+s17+$0x0], $0xffff  }
0x2c1: {  	v59 =	vld.idx.msk [tilespmem:v49+s17+$0x0], $0xffff;
	v61 =	vadd.s32 v14, v28;
	v60 =	vadd.f32 v38, v23;
	[tilespmem:s29+$0x450] =	vst v55  }
0x2c2: {  	[tilespmem:s12+$0x450] =	vst v17;
	v36 =	vld.idx.msk [tilespmem:v51+s17+$0x0], $0xffff;
	v17 =	vadd.f32 v40, v30;
	v62 =	vadd.s32 v14, v35  }
0x2c3: {  	v45 =	vadd.s32 v14, v32;
	[tilespmem:s0+$0x450] =	vst v60;
	v21 =	vld.idx.msk [tilespmem:v53+s17+$0x0], $0xffff;
	v63 =	vadd.f32 v54, v29  }
0x2c4: {  	v46 =	vadd.s32 v15, v20;
	v37 =	vld.idx.msk [tilespmem:v56+s17+$0x0], $0xffff;
	[tilespmem:s5+$0x450] =	vst v17;
	v17 =	vadd.f32 v39, v34  }
0x2c5: {  	v47 =	vadd.s32 v15, v19;
	v27 =	vld.idx.msk [tilespmem:v57+s17+$0x0], $0xffff;
	[tilespmem:s7+$0x450] =	vst v63;
	v48 =	vadd.f32 v58, v33  }
0x2c6: {  	v49 =	vadd.f32 v59, v18;
	v50 =	vadd.s32 v15, v25;
	v38 =	vld.idx.msk [tilespmem:v61+s17+$0x0], $0xffff;
	[tilespmem:s25+$0x450] =	vst v17  }
0x2c7: {  	v51 =	vadd.s32 v15, v22;
	v17 =	vadd.f32 v36, v16;
	[tilespmem:s9+$0x450] =	vst v48;
	v52 =	vld.idx.msk [tilespmem:v62+s17+$0x0], $0xffff  }
0x2c8: {  	[tilespmem:s1+$0x460] =	vst v49;
	v53 =	vadd.s32 v15, v31;
	v21 =	vadd.f32 v21, v24;
	v54 =	vld.idx.msk [tilespmem:v45+s17+$0x0], $0xffff  }
0x2c9: {  	v20 =	vld.idx.msk [tilespmem:v46+s17+$0x0], $0xffff;
	v55 =	vadd.s32 v15, v28;
	[tilespmem:s29+$0x460] =	vst v17;
	v17 =	vadd.f32 v37, v23  }
0x2ca: {  	v57 =	vadd.s32 v15, v35;
	[tilespmem:s12+$0x460] =	vst v21;
	v56 =	vadd.f32 v27, v30;
	v19 =	vld.idx.msk [tilespmem:v47+s17+$0x0], $0xffff  }
0x2cb: {  	v58 =	vadd.s32 v15, v32;
	v25 =	vld.idx.msk [tilespmem:v50+s17+$0x0], $0xffff;
	[tilespmem:s0+$0x460] =	vst v17;
	v17 =	vadd.f32 v38, v29  }
0x2cc: {  	[tilespmem:s5+$0x460] =	vst v56;
	v22 =	vld.idx.msk [tilespmem:v51+s17+$0x0], $0xffff;
	v59 =	vadd.f32 v52, v34  }
0x2cd: {  	v26 =	vld.idx.msk [tilespmem:v53+s17+$0x0], $0xffff;
	[tilespmem:s7+$0x460] =	vst v17;
	v17 =	vadd.f32 v54, v33  }
0x2ce: {  	v60 =	vadd.f32 v20, v18;
	v61 =	vld.idx.msk [tilespmem:v55+s17+$0x0], $0xffff;
	[tilespmem:s25+$0x460] =	vst v59  }
0x2cf: {  	v16 =	vadd.f32 v19, v16;
	[tilespmem:s9+$0x460] =	vst v17;
	v62 =	vld.idx.msk [tilespmem:v57+s17+$0x0], $0xffff  }
0x2d0: {  	[tilespmem:s1+$0x470] =	vst v60;
	v17 =	vadd.f32 v25, v24;
	v63 =	vld.idx.msk [tilespmem:v58+s17+$0x0], $0xffff  }
0x2d1: {  	[tilespmem:s29+$0x470] =	vst v16;
	v16 =	vadd.f32 v22, v23  }
0x2d2: {  	s26 =	sadd.s32 $0x1, s26;
	[tilespmem:s12+$0x470] =	vst v17;
	v17 =	vadd.f32 v26, v30  }
0x2d3: {  	p0 =	sne.s32 s26, $0x32;
	[tilespmem:s0+$0x470] =	vst v16;
	v16 =	vadd.f32 v61, v29  }
.Ltmp7:
0x2d4: {  	s31 =	sshll.u32 s28, $0x12;
	[tilespmem:s5+$0x470] =	vst v17;
	v17 =	vadd.f32 v62, v34;
	(pc) =	sbr.rel @p0 .LBB2_2-.Ltmp7, $4  }
0x2d5: {  	s0 =	sor.u32 s8, s31;
	[tilespmem:s7+$0x470] =	vst v16;
	v16 =	vadd.f32 v63, v33  }
0x2d6: {  	s0 =	sshrl.u32 s0, $0x3;
	[tilespmem:s25+$0x470] =	vst v17  }
0x2d7: {  	s0 =	sadd.s32 s2, s0;
	[tilespmem:s9+$0x470] =	vst v16  }
0x2d8: {  	[hbm4b:s0+s18] =	stream.strided.scatter [tilespmem:s23], [sflag:$0x4], $0x4000, s19, s18, $0x38;
	[tilespmem:$0x1DE00] =	vst v63  }
0x2d9: {  	s0 =	simm.s32 $0x3  }
0x2da: {  	_ =	swait.ge [sflag:s0], $0x4000  }
0x2db: {  	[sflag:s0] =	ssyncset.done $0x0  }
0x2dc: {  	[sflag:s0] =	ssyncadd.s32 $0xFFFFC000  }
0x2dd: {  	_ =	swait.ge [sflag:s22], $0x4000  }
0x2de: {  	s1 =	rddreg [dreg:$0x6]  }
0x2df: {  	s31 =	rddreg [dreg:$0x5];
	s1 =	sadd.s32 $0x1, s1  }
0x2e0: {  	p0 =	sne.s32 s1, s31  }
.Ltmp8:
0x2e1: {  	_ = 	snop;
	(pc) =	sbr.rel @p0 .LBB2_1-.Ltmp8, $3  }
0x2e2: {  	_ =	sdelay $0x1  }
0x2e3: {  	[sflag:s22] =	ssyncset.done $0x0  }
0x2e4: {  	[sflag:s22] =	ssyncadd.s32 $0xFFFFC000  }
0x2e5: {  	_ =	sfence.sel $0x180000  }
0x2e6: {  	[bflag:$0x0] =	sbarrier.arrive $0xFFFF  }
0x2e7: {  	_ =	strace $0x90000047  }
0x2e8: {  	s0 =	stileid.u32;
	[bflag:$0x2] =	sbarrier.arrive $0xFFFF  }
0x2e9: {  	p0 =	sne.s32 s0, $0x0;
	s0 =	rddreg [dreg:$0x2]  }
0x2ea: {  	s0 =	sadd.s32 @!p0 $0x100000, s0  }
0x2eb: {  	[sflag:s0] =	ssyncadd.tile.s32 @!p0 $0x1;
	_ =	shalt  }
.Lfunc_end2:
_tile_overlayer_lowered:
.L_overlay_start_2:
0x2ec: {  	(tag) =	ssettag $0x2  }
0x2ed: {  	s0 =	rddreg [dreg:$0x0];
	s2 =	stileid.u32  }
0x2ee: {  	s1 =	rddreg [dreg:$0x1];
	p0 =	sne.s32 s2, $0x0  }
0x2ef: {  	s3 =	rddreg [dreg:$0x2];
	[bflag:$0x3] =	sbarrier.arrive $0xFFFF;
	s2 =	simm.s32 @!p0 $0x1C05  }
0x2f0: {  	[timem:s3], [sflag:s2] =	dma.local @!p0 [hbm:s0], s1  }
0x2f1: {  	s0 =	simm.s32 @!p0 $0x5  }
0x2f2: {  	_ =	swait.ge @!p0 [sflag:s0], s1  }
0x2f3: {  	s1 =	ssub.s32 @!p0 $0x0, s1;
	[sflag:s0] =	ssyncset.done @!p0 $0x0  }
0x2f4: {  	[sflag:s0] =	ssyncadd.s32 @!p0 s1  }
0x2f5: {  	[bflag:$0x3] =	sbarrier.arrive $0xFFFF  }
0x2f6: {  	_ =	shalt  }

</sc_bundles>
